<compile_context>
chip_gen: v7x
topology: tpu7x:2x2x1
jax: 0.10.2.dev20260603
libtpu: 0.0.44.dev20260713+nightly
codegen_flags: <defaults>
</compile_context>

<pallas_src>
import functools

import jax
import jax.numpy as jnp
from jax import lax
from jax.experimental import pallas as pl
from jax.experimental.pallas import tpu as pltpu
from jax.experimental.pallas import tpu_sc as plsc

_NEG_TH = 0.3
_MSE_TH = 1.0
_K = 8
_L = 16
_NW = 32
_UNROLL = 8


def _merge_sorted(ta, tb):
    return jnp.sort(jnp.maximum(ta, lax.rev(tb, (0,))))


def _sc_body(rows_per_worker, num_chunks, wid_fn, pred_hbm, lab_hbm, out_hbm,
             pbufa, lbufa, pbufb, lbufb, obuf, sema, semb):
    wid = wid_fn()
    base_row = wid * rows_per_worker
    lanes = lax.iota(jnp.int32, _L)

    def start_set(row0, pbuf, lbuf, sem):
        pltpu.make_async_copy(pred_hbm.at[pl.ds(row0, 2)], pbuf, sem).start()
        pltpu.make_async_copy(lab_hbm.at[pl.ds(row0, 2)], lbuf, sem).start()

    def wait_set(row0, pbuf, lbuf, sem):
        pltpu.make_async_copy(pred_hbm.at[pl.ds(row0, 2)], pbuf, sem).wait()
        pltpu.make_async_copy(lab_hbm.at[pl.ds(row0, 2)], lbuf, sem).wait()

    def process_row(pbuf, lbuf, rr, acc_top8):

        def chunk_body(j, tops):
            tops = list(tops)
            base = j * _UNROLL * _L
            ys = []
            for u in range(_UNROLL):
                sl = pl.ds(pl.multiple_of(base + u * _L, _L), _L)
                p = pbuf[rr, sl]
                l = lbuf[rr, sl]
                ys.append(jnp.where(l < _NEG_TH, jnp.maximum(p, 0.0), 0.0))
            for u in range(_UNROLL // 2):
                a = jnp.sort(ys[2 * u])
                b, _ = plsc.sort_key_val(ys[2 * u + 1], ys[2 * u + 1],
                                         descending=True)
                m = jnp.maximum(a, b)
                mdesc, _ = plsc.sort_key_val(m, m, descending=True)
                tops[u] = jnp.sort(jnp.maximum(tops[u], mdesc))
            return tuple(tops)

        tops0 = tuple(jnp.zeros((_L,), jnp.float32)
                      for _ in range(_UNROLL // 2))
        tops = lax.fori_loop(0, num_chunks // _UNROLL, chunk_body, tops0)

        tl = list(tops)
        while len(tl) > 1:
            tl = [_merge_sorted(tl[i], tl[i + 1]) for i in range(0, len(tl), 2)]
        return acc_top8 + jnp.where(lanes >= _L - _K, tl[0], 0.0)

    def process_pair(pbuf, lbuf, acc):
        acc = process_row(pbuf, lbuf, 0, acc)
        return process_row(pbuf, lbuf, 1, acc)

    start_set(base_row, pbufa, lbufa, sema)

    def quad_body(i, accs):
        r0 = base_row + i * 4
        start_set(r0 + 2, pbufb, lbufb, semb)
        wait_set(r0, pbufa, lbufa, sema)
        accs = process_pair(pbufa, lbufa, accs)

        @pl.when(i * 4 + 4 < rows_per_worker)
        def _():
            start_set(r0 + 4, pbufa, lbufa, sema)

        wait_set(r0 + 2, pbufb, lbufb, semb)
        accs = process_pair(pbufb, lbufb, accs)
        return accs

    z = jnp.zeros((_L,), jnp.float32)
    acc_top8 = lax.fori_loop(0, rows_per_worker // 4, quad_body, z)

    s_top8 = jnp.full((_L,), 0.0) + jnp.sum(acc_top8)
    obuf[...] = jnp.where(lanes == 0, s_top8, 0.0)
    pltpu.sync_copy(obuf, out_hbm.at[wid])


_TC_BLOCK = 128


def _tc_body(pred_ref, lab_ref, out_ref):
    p = pred_ref[...]
    l = lab_ref[...]
    r, hw = p.shape
    maxl = jnp.max(l, axis=1, keepdims=True)
    iota = lax.broadcasted_iota(jnp.int32, (r, hw), 1)
    big = jnp.int32(2**31 - 1)
    idx = jnp.min(jnp.where(l == maxl, iota, big), axis=1, keepdims=True)
    pa = jnp.sum(jnp.where(iota == idx, p, 0.0), axis=1, keepdims=True)
    validb = maxl > _NEG_TH
    pv_part = jnp.sum(jnp.where(validb, jnp.minimum(pa, 1.0), 0.0))
    valid_part = jnp.sum(jnp.where(validb, 1.0, 0.0))
    res = p - l
    sq = res * res
    sq_part = jnp.sum(jnp.where((sq > _MSE_TH) & (l < _NEG_TH), sq, 0.0))

    lanes2d = lax.broadcasted_iota(jnp.int32, (1, 128), 1)
    vec = jnp.where(lanes2d == 0, pv_part,
                    jnp.where(lanes2d == 1, valid_part,
                              jnp.where(lanes2d == 2, sq_part, 0.0)))

    @pl.when(pl.program_id(0) == 0)
    def _():
        out_ref[...] = jnp.zeros_like(out_ref)

    out_ref[...] += vec


@functools.partial(jax.jit, static_argnums=(2, 3))
def _run(pred, lab, rows, hw):
    rows_per_worker = rows // _NW
    num_chunks = hw // _L
    mesh = plsc.VectorSubcoreMesh(
        core_axis_name="c", subcore_axis_name="s", num_cores=2, num_subcores=16)
    wid_fn = lambda: lax.axis_index("s") * 2 + lax.axis_index("c")
    body = functools.partial(_sc_body, rows_per_worker, num_chunks, wid_fn)
    parts = pl.kernel(
        body,
        out_type=jax.ShapeDtypeStruct((_NW, _L), jnp.float32),
        mesh=mesh,
        scratch_types=[
            pltpu.VMEM((2, hw), jnp.float32),
            pltpu.VMEM((2, hw), jnp.float32),
            pltpu.VMEM((2, hw), jnp.float32),
            pltpu.VMEM((2, hw), jnp.float32),
            pltpu.VMEM((_L,), jnp.float32),
            pltpu.SemaphoreType.DMA,
            pltpu.SemaphoreType.DMA,
        ],
        compiler_params=pltpu.CompilerParams(needs_layout_passes=False),
        cost_estimate=pl.CostEstimate(
            flops=400_000_000, bytes_accessed=310_000_000, transcendentals=0),
    )(pred, lab)

    tc_parts = pl.pallas_call(
        _tc_body,
        grid=(rows // _TC_BLOCK,),
        in_specs=[
            pl.BlockSpec((_TC_BLOCK, hw), lambda i: (i, 0)),
            pl.BlockSpec((_TC_BLOCK, hw), lambda i: (i, 0)),
        ],
        out_specs=pl.BlockSpec((1, 128), lambda i: (0, 0)),
        out_shape=jax.ShapeDtypeStruct((1, 128), jnp.float32),
    )(pred, lab)

    total_top8 = jnp.sum(parts[:, 0])
    total_pv = tc_parts[0, 0]
    total_valid = tc_parts[0, 1]
    total_sq = tc_parts[0, 2]
    n_valid = jnp.maximum(total_valid, 1.0)
    margin = 1.0 - total_pv / n_valid + total_top8 / (rows * _K)
    mse = total_sq / (rows * hw)
    return margin + mse


def kernel(prediction, label):
    rows = prediction.shape[0]
    hw = prediction.shape[-2] * prediction.shape[-1]
    pred = prediction.reshape(rows, hw)
    lab = label.reshape(rows, hw)
    assert rows % (_NW * 4) == 0 and rows % _TC_BLOCK == 0
    assert hw % (_L * _UNROLL) == 0 and hw % 128 == 0
    return _run(pred, lab, rows, hw)

# --- scband reference (transcript-rebuilt; emitter-appended) ---
"""Pipeline reference for scband-target-classification-margin-loss-85023172592397 (READ-ONLY COPY).

The authoritative reference and input builder live on the scoring server;
editing this copy changes nothing except your own understanding.
"""

import jax, jax.numpy as jnp
import numpy as np

NUM_DISTRACTORS = 8
NEG_TH = 0.3
POS_W = 1.0
MSE_TH = 1.0
MSE_W = 1.0


def setup_inputs(seed: int = 0) -> dict:
    key = jax.random.key(seed)
    k1, k2 = jax.random.split(key)
    prediction = jax.random.normal(k1, (4096, 96, 96), dtype=jnp.float32)
    label = jax.random.uniform(k2, (4096, 96, 96), dtype=jnp.float32)
    return {"prediction": prediction, "label": label}


def reference(prediction, label):
    hw = prediction.shape[-2] * prediction.shape[-1]
    pred = prediction.reshape(-1, hw)
    lab = label.reshape(-1, label.shape[-2] * label.shape[-1])
    negative_mask = (lab < NEG_TH).astype(jnp.float32)
    prediction_masked = pred * negative_mask
    distractor_val, _ = jax.lax.top_k(prediction_masked, NUM_DISTRACTORS)
    label_val = jnp.max(lab, axis=1)
    label_ind = jnp.argmax(lab, axis=1)
    pred_at_label = pred[jnp.arange(pred.shape[0]), label_ind]
    valid = (label_val > NEG_TH).astype(jnp.float32)
    # mean over rows whose label max exceeds the threshold (boolean-select mean,
    # expressed as a masked mean to keep shapes static)
    n_valid = jnp.maximum(jnp.sum(valid), 1.0)
    pred_val_mean = jnp.sum(jnp.minimum(pred_at_label, 1.0) * valid) / n_valid
    margin_loss = 1.0 - pred_val_mean + jnp.mean(jnp.maximum(distractor_val, 0.0)) / POS_W
    residual = pred - lab
    residual_masked = residual * (jnp.abs(residual) > MSE_TH).astype(jnp.float32) * negative_mask
    mse_loss = jnp.mean(jnp.square(residual_masked))
    return margin_loss + mse_loss * MSE_W

if __name__ == "__main__":
    import jax
    _d = setup_inputs()
    print(jax.jit(kernel)(*tuple(_d.values())))

</pallas_src>

<mosaic_0001>
#map = affine_map<(d0, d1) -> (0, 0)>
module attributes {stable_mosaic.version = 14 : i64} {
  func.func @_sc_body(%arg0: i32, %arg1: i32, %arg2: memref<4096x9216xf32, #tpu.memory_space<hbm>>, %arg3: memref<4096x9216xf32, #tpu.memory_space<hbm>>, %arg4: memref<32x16xf32, #tpu.memory_space<hbm>>, %arg5: memref<2x9216xf32, #tpu.memory_space<vmem>>, %arg6: memref<2x9216xf32, #tpu.memory_space<vmem>>, %arg7: memref<2x9216xf32, #tpu.memory_space<vmem>>, %arg8: memref<2x9216xf32, #tpu.memory_space<vmem>>, %arg9: memref<16xf32, #tpu.memory_space<vmem>>, %arg10: memref<!tpu.dma_semaphore, #tpu.memory_space<semaphore_mem>>, %arg11: memref<!tpu.dma_semaphore, #tpu.memory_space<semaphore_mem>>) attributes {dimension_semantics = [#tpu.dimension_semantics<core_parallel>, #tpu.dimension_semantics<subcore_parallel>], iteration_bounds = array<i64: 2, 16>, scalar_prefetch = 0 : i64, scratch_operands = 7 : i64, tpu.core_type = #tpu.core_type<sc_vector_subcore>, window_params = [{transform_indices = #map}, {transform_indices = #map}, {transform_indices = #map}]} {
    %mul3A = arith.constant 2 : i32
    %mul3A_0 = arith.muli %arg1, %mul3A : i32
    %add3A = arith.addi %mul3A_0, %arg0 : i32
    %mul3A_1 = arith.constant 128 : i32
    %mul3A_2 = arith.muli %add3A, %mul3A_1 : i32
    %iota3A = tpu.iota {dimensions = array<i32: 0>} : vector<16xi32>
    %dma_start3A = arith.constant 0 : i32
    %dma_start3A_3 = tpu.memref_slice %arg2[%mul3A_2, %dma_start3A] : memref<4096x9216xf32, #tpu.memory_space<hbm>> -> memref<2x9216xf32, #tpu.memory_space<hbm>>
    %dma_start3A_4 = arith.constant 0 : i32
    %dma_start3A_5 = tpu.memref_slice %arg2[%mul3A_2, %dma_start3A_4] : memref<4096x9216xf32, #tpu.memory_space<hbm>> -> memref<2x9216xf32, #tpu.memory_space<hbm>>
    tpu.enqueue_dma source(%dma_start3A_5 : memref<2x9216xf32, #tpu.memory_space<hbm>>) target(%arg5 : memref<2x9216xf32, #tpu.memory_space<vmem>>) target_semaphore(%arg10 : memref<!tpu.dma_semaphore, #tpu.memory_space<semaphore_mem>>)
    %dma_start3A_6 = arith.constant 0 : i32
    %dma_start3A_7 = tpu.memref_slice %arg3[%mul3A_2, %dma_start3A_6] : memref<4096x9216xf32, #tpu.memory_space<hbm>> -> memref<2x9216xf32, #tpu.memory_space<hbm>>
    %dma_start3A_8 = arith.constant 0 : i32
    %dma_start3A_9 = tpu.memref_slice %arg3[%mul3A_2, %dma_start3A_8] : memref<4096x9216xf32, #tpu.memory_space<hbm>> -> memref<2x9216xf32, #tpu.memory_space<hbm>>
    tpu.enqueue_dma source(%dma_start3A_9 : memref<2x9216xf32, #tpu.memory_space<hbm>>) target(%arg6 : memref<2x9216xf32, #tpu.memory_space<vmem>>) target_semaphore(%arg10 : memref<!tpu.dma_semaphore, #tpu.memory_space<semaphore_mem>>)
    %broadcast_in_dim3A = arith.constant 0.000000e+00 : f32
    %broadcast_in_dim3A_10 = vector.broadcast %broadcast_in_dim3A : f32 to vector<16xf32>
    %scan3A = arith.constant 0 : i32
    %scan3A_11 = arith.constant 32 : i32
    %scan3A_12 = arith.addi %scan3A, %scan3A_11 : i32
    %scan3A_13 = arith.constant 1 : i32
    %scan3A_14 = scf.for %scan3A_27 = %scan3A to %scan3A_12 step %scan3A_13 iter_args(%scan3A_28 = %broadcast_in_dim3A_10) -> (vector<16xf32>)  : i32 {
      %mul3A_29 = arith.constant 4 : i32
      %mul3A_30 = arith.muli %scan3A_27, %mul3A_29 : i32
      %add3A_31 = arith.addi %mul3A_2, %mul3A_30 : i32
      %add3A_32 = arith.constant 2 : i32
      %add3A_33 = arith.addi %add3A_31, %add3A_32 : i32
      %dma_start3A_34 = arith.constant 0 : i32
      %dma_start3A_35 = tpu.memref_slice %arg2[%add3A_33, %dma_start3A_34] : memref<4096x9216xf32, #tpu.memory_space<hbm>> -> memref<2x9216xf32, #tpu.memory_space<hbm>>
      %dma_start3A_36 = arith.constant 0 : i32
      %dma_start3A_37 = tpu.memref_slice %arg2[%add3A_33, %dma_start3A_36] : memref<4096x9216xf32, #tpu.memory_space<hbm>> -> memref<2x9216xf32, #tpu.memory_space<hbm>>
      tpu.enqueue_dma source(%dma_start3A_37 : memref<2x9216xf32, #tpu.memory_space<hbm>>) target(%arg7 : memref<2x9216xf32, #tpu.memory_space<vmem>>) target_semaphore(%arg11 : memref<!tpu.dma_semaphore, #tpu.memory_space<semaphore_mem>>)
      %dma_start3A_38 = arith.constant 0 : i32
      %dma_start3A_39 = tpu.memref_slice %arg3[%add3A_33, %dma_start3A_38] : memref<4096x9216xf32, #tpu.memory_space<hbm>> -> memref<2x9216xf32, #tpu.memory_space<hbm>>
      %dma_start3A_40 = arith.constant 0 : i32
      %dma_start3A_41 = tpu.memref_slice %arg3[%add3A_33, %dma_start3A_40] : memref<4096x9216xf32, #tpu.memory_space<hbm>> -> memref<2x9216xf32, #tpu.memory_space<hbm>>
      tpu.enqueue_dma source(%dma_start3A_41 : memref<2x9216xf32, #tpu.memory_space<hbm>>) target(%arg8 : memref<2x9216xf32, #tpu.memory_space<vmem>>) target_semaphore(%arg11 : memref<!tpu.dma_semaphore, #tpu.memory_space<semaphore_mem>>)
      %dma_wait3A = arith.constant 0 : i32
      %dma_wait3A_42 = tpu.memref_slice %arg2[%add3A_31, %dma_wait3A] : memref<4096x9216xf32, #tpu.memory_space<hbm>> -> memref<2x9216xf32, #tpu.memory_space<hbm>>
      %dma_wait3A_43 = arith.constant 0 : i32
      %dma_wait3A_44 = tpu.memref_slice %arg2[%add3A_31, %dma_wait3A_43] : memref<4096x9216xf32, #tpu.memory_space<hbm>> -> memref<2x9216xf32, #tpu.memory_space<hbm>>
      tpu.wait_dma2 semaphore(%arg10 : memref<!tpu.dma_semaphore, #tpu.memory_space<semaphore_mem>>) src(%dma_wait3A_44 : memref<2x9216xf32, #tpu.memory_space<hbm>>) dst(%arg5 : memref<2x9216xf32, #tpu.memory_space<vmem>>)
      %dma_wait3A_45 = arith.constant 0 : i32
      %dma_wait3A_46 = tpu.memref_slice %arg3[%add3A_31, %dma_wait3A_45] : memref<4096x9216xf32, #tpu.memory_space<hbm>> -> memref<2x9216xf32, #tpu.memory_space<hbm>>
      %dma_wait3A_47 = arith.constant 0 : i32
      %dma_wait3A_48 = tpu.memref_slice %arg3[%add3A_31, %dma_wait3A_47] : memref<4096x9216xf32, #tpu.memory_space<hbm>> -> memref<2x9216xf32, #tpu.memory_space<hbm>>
      tpu.wait_dma2 semaphore(%arg10 : memref<!tpu.dma_semaphore, #tpu.memory_space<semaphore_mem>>) src(%dma_wait3A_48 : memref<2x9216xf32, #tpu.memory_space<hbm>>) dst(%arg6 : memref<2x9216xf32, #tpu.memory_space<vmem>>)
      %broadcast_in_dim3A_49 = arith.constant 0.000000e+00 : f32
      %broadcast_in_dim3A_50 = vector.broadcast %broadcast_in_dim3A_49 : f32 to vector<16xf32>
      %broadcast_in_dim3A_51 = arith.constant 0.000000e+00 : f32
      %broadcast_in_dim3A_52 = vector.broadcast %broadcast_in_dim3A_51 : f32 to vector<16xf32>
      %broadcast_in_dim3A_53 = arith.constant 0.000000e+00 : f32
      %broadcast_in_dim3A_54 = vector.broadcast %broadcast_in_dim3A_53 : f32 to vector<16xf32>
      %broadcast_in_dim3A_55 = arith.constant 0.000000e+00 : f32
      %broadcast_in_dim3A_56 = vector.broadcast %broadcast_in_dim3A_55 : f32 to vector<16xf32>
      %scan3A_57 = arith.constant 0 : i32
      %scan3A_58 = arith.constant 72 : i32
      %scan3A_59 = arith.addi %scan3A_57, %scan3A_58 : i32
      %scan3A_60 = arith.constant 1 : i32
      %scan3A_61:4 = scf.for %scan3A_265 = %scan3A_57 to %scan3A_59 step %scan3A_60 iter_args(%scan3A_266 = %broadcast_in_dim3A_50, %scan3A_267 = %broadcast_in_dim3A_52, %scan3A_268 = %broadcast_in_dim3A_54, %scan3A_269 = %broadcast_in_dim3A_56) -> (vector<16xf32>, vector<16xf32>, vector<16xf32>, vector<16xf32>)  : i32 {
        %mul3A_270 = arith.constant 8 : i32
        %mul3A_271 = arith.muli %scan3A_265, %mul3A_270 : i32
        %mul3A_272 = arith.constant 16 : i32
        %mul3A_273 = arith.muli %mul3A_271, %mul3A_272 : i32
        %add3A_274 = arith.constant 0 : i32
        %add3A_275 = arith.addi %mul3A_273, %add3A_274 : i32
        %multiple_of3A = tpu.assume_multiple %add3A_275, 16 : i32
        %get3A = arith.constant 0 : i32
        %get3A_276 = arith.index_cast %get3A : i32 to index
        %get3A_277 = arith.index_cast %multiple_of3A : i32 to index
        %get3A_278 = tpu.vector_load %arg5[%get3A_276, %get3A_277] {strides = array<i32>} : memref<2x9216xf32, #tpu.memory_space<vmem>>, vector<16xf32>,
        %get3A_279 = arith.constant 0 : i32
        %get3A_280 = arith.index_cast %get3A_279 : i32 to index
        %get3A_281 = arith.index_cast %multiple_of3A : i32 to index
        %get3A_282 = tpu.vector_load %arg6[%get3A_280, %get3A_281] {strides = array<i32>} : memref<2x9216xf32, #tpu.memory_space<vmem>>, vector<16xf32>,
        %lt3A_283 = arith.constant 3.000000e-01 : f32
        %lt3A_284 = vector.broadcast %lt3A_283 : f32 to vector<16xf32>
        %lt3A_285 = arith.cmpf olt, %get3A_282, %lt3A_284 : vector<16xf32>
        %max3A_286 = arith.constant 0.000000e+00 : f32
        %max3A_287 = vector.broadcast %max3A_286 : f32 to vector<16xf32>
        %max3A_288 = arith.maximumf %get3A_278, %max3A_287 : vector<16xf32>
        %jit3A_289 = arith.constant 0.000000e+00 : f32
        %broadcast_in_dim3A_290 = vector.broadcast %jit3A_289 : f32 to vector<16xf32>
        %select_n3A_291 = arith.select %lt3A_285, %max3A_288, %broadcast_in_dim3A_290 : vector<16xi1>, vector<16xf32>
        %add3A_292 = arith.constant 16 : i32
        %add3A_293 = arith.addi %mul3A_273, %add3A_292 : i32
        %multiple_of3A_294 = tpu.assume_multiple %add3A_293, 16 : i32
        %get3A_295 = arith.constant 0 : i32
        %get3A_296 = arith.index_cast %get3A_295 : i32 to index
        %get3A_297 = arith.index_cast %multiple_of3A_294 : i32 to index
        %get3A_298 = tpu.vector_load %arg5[%get3A_296, %get3A_297] {strides = array<i32>} : memref<2x9216xf32, #tpu.memory_space<vmem>>, vector<16xf32>,
        %get3A_299 = arith.constant 0 : i32
        %get3A_300 = arith.index_cast %get3A_299 : i32 to index
        %get3A_301 = arith.index_cast %multiple_of3A_294 : i32 to index
        %get3A_302 = tpu.vector_load %arg6[%get3A_300, %get3A_301] {strides = array<i32>} : memref<2x9216xf32, #tpu.memory_space<vmem>>, vector<16xf32>,
        %lt3A_303 = arith.constant 3.000000e-01 : f32
        %lt3A_304 = vector.broadcast %lt3A_303 : f32 to vector<16xf32>
        %lt3A_305 = arith.cmpf olt, %get3A_302, %lt3A_304 : vector<16xf32>
        %max3A_306 = arith.constant 0.000000e+00 : f32
        %max3A_307 = vector.broadcast %max3A_306 : f32 to vector<16xf32>
        %max3A_308 = arith.maximumf %get3A_298, %max3A_307 : vector<16xf32>
        %jit3A_309 = arith.constant 0.000000e+00 : f32
        %broadcast_in_dim3A_310 = vector.broadcast %jit3A_309 : f32 to vector<16xf32>
        %select_n3A_311 = arith.select %lt3A_305, %max3A_308, %broadcast_in_dim3A_310 : vector<16xi1>, vector<16xf32>
        %add3A_312 = arith.constant 32 : i32
        %add3A_313 = arith.addi %mul3A_273, %add3A_312 : i32
        %multiple_of3A_314 = tpu.assume_multiple %add3A_313, 16 : i32
        %get3A_315 = arith.constant 0 : i32
        %get3A_316 = arith.index_cast %get3A_315 : i32 to index
        %get3A_317 = arith.index_cast %multiple_of3A_314 : i32 to index
        %get3A_318 = tpu.vector_load %arg5[%get3A_316, %get3A_317] {strides = array<i32>} : memref<2x9216xf32, #tpu.memory_space<vmem>>, vector<16xf32>,
        %get3A_319 = arith.constant 0 : i32
        %get3A_320 = arith.index_cast %get3A_319 : i32 to index
        %get3A_321 = arith.index_cast %multiple_of3A_314 : i32 to index
        %get3A_322 = tpu.vector_load %arg6[%get3A_320, %get3A_321] {strides = array<i32>} : memref<2x9216xf32, #tpu.memory_space<vmem>>, vector<16xf32>,
        %lt3A_323 = arith.constant 3.000000e-01 : f32
        %lt3A_324 = vector.broadcast %lt3A_323 : f32 to vector<16xf32>
        %lt3A_325 = arith.cmpf olt, %get3A_322, %lt3A_324 : vector<16xf32>
        %max3A_326 = arith.constant 0.000000e+00 : f32
        %max3A_327 = vector.broadcast %max3A_326 : f32 to vector<16xf32>
        %max3A_328 = arith.maximumf %get3A_318, %max3A_327 : vector<16xf32>
        %jit3A_329 = arith.constant 0.000000e+00 : f32
        %broadcast_in_dim3A_330 = vector.broadcast %jit3A_329 : f32 to vector<16xf32>
        %select_n3A_331 = arith.select %lt3A_325, %max3A_328, %broadcast_in_dim3A_330 : vector<16xi1>, vector<16xf32>
        %add3A_332 = arith.constant 48 : i32
        %add3A_333 = arith.addi %mul3A_273, %add3A_332 : i32
        %multiple_of3A_334 = tpu.assume_multiple %add3A_333, 16 : i32
        %get3A_335 = arith.constant 0 : i32
        %get3A_336 = arith.index_cast %get3A_335 : i32 to index
        %get3A_337 = arith.index_cast %multiple_of3A_334 : i32 to index
        %get3A_338 = tpu.vector_load %arg5[%get3A_336, %get3A_337] {strides = array<i32>} : memref<2x9216xf32, #tpu.memory_space<vmem>>, vector<16xf32>,
        %get3A_339 = arith.constant 0 : i32
        %get3A_340 = arith.index_cast %get3A_339 : i32 to index
        %get3A_341 = arith.index_cast %multiple_of3A_334 : i32 to index
        %get3A_342 = tpu.vector_load %arg6[%get3A_340, %get3A_341] {strides = array<i32>} : memref<2x9216xf32, #tpu.memory_space<vmem>>, vector<16xf32>,
        %lt3A_343 = arith.constant 3.000000e-01 : f32
        %lt3A_344 = vector.broadcast %lt3A_343 : f32 to vector<16xf32>
        %lt3A_345 = arith.cmpf olt, %get3A_342, %lt3A_344 : vector<16xf32>
        %max3A_346 = arith.constant 0.000000e+00 : f32
        %max3A_347 = vector.broadcast %max3A_346 : f32 to vector<16xf32>
        %max3A_348 = arith.maximumf %get3A_338, %max3A_347 : vector<16xf32>
        %jit3A_349 = arith.constant 0.000000e+00 : f32
        %broadcast_in_dim3A_350 = vector.broadcast %jit3A_349 : f32 to vector<16xf32>
        %select_n3A_351 = arith.select %lt3A_345, %max3A_348, %broadcast_in_dim3A_350 : vector<16xi1>, vector<16xf32>
        %add3A_352 = arith.constant 64 : i32
        %add3A_353 = arith.addi %mul3A_273, %add3A_352 : i32
        %multiple_of3A_354 = tpu.assume_multiple %add3A_353, 16 : i32
        %get3A_355 = arith.constant 0 : i32
        %get3A_356 = arith.index_cast %get3A_355 : i32 to index
        %get3A_357 = arith.index_cast %multiple_of3A_354 : i32 to index
        %get3A_358 = tpu.vector_load %arg5[%get3A_356, %get3A_357] {strides = array<i32>} : memref<2x9216xf32, #tpu.memory_space<vmem>>, vector<16xf32>,
        %get3A_359 = arith.constant 0 : i32
        %get3A_360 = arith.index_cast %get3A_359 : i32 to index
        %get3A_361 = arith.index_cast %multiple_of3A_354 : i32 to index
        %get3A_362 = tpu.vector_load %arg6[%get3A_360, %get3A_361] {strides = array<i32>} : memref<2x9216xf32, #tpu.memory_space<vmem>>, vector<16xf32>,
        %lt3A_363 = arith.constant 3.000000e-01 : f32
        %lt3A_364 = vector.broadcast %lt3A_363 : f32 to vector<16xf32>
        %lt3A_365 = arith.cmpf olt, %get3A_362, %lt3A_364 : vector<16xf32>
        %max3A_366 = arith.constant 0.000000e+00 : f32
        %max3A_367 = vector.broadcast %max3A_366 : f32 to vector<16xf32>
        %max3A_368 = arith.maximumf %get3A_358, %max3A_367 : vector<16xf32>
        %jit3A_369 = arith.constant 0.000000e+00 : f32
        %broadcast_in_dim3A_370 = vector.broadcast %jit3A_369 : f32 to vector<16xf32>
        %select_n3A_371 = arith.select %lt3A_365, %max3A_368, %broadcast_in_dim3A_370 : vector<16xi1>, vector<16xf32>
        %add3A_372 = arith.constant 80 : i32
        %add3A_373 = arith.addi %mul3A_273, %add3A_372 : i32
        %multiple_of3A_374 = tpu.assume_multiple %add3A_373, 16 : i32
        %get3A_375 = arith.constant 0 : i32
        %get3A_376 = arith.index_cast %get3A_375 : i32 to index
        %get3A_377 = arith.index_cast %multiple_of3A_374 : i32 to index
        %get3A_378 = tpu.vector_load %arg5[%get3A_376, %get3A_377] {strides = array<i32>} : memref<2x9216xf32, #tpu.memory_space<vmem>>, vector<16xf32>,
        %get3A_379 = arith.constant 0 : i32
        %get3A_380 = arith.index_cast %get3A_379 : i32 to index
        %get3A_381 = arith.index_cast %multiple_of3A_374 : i32 to index
        %get3A_382 = tpu.vector_load %arg6[%get3A_380, %get3A_381] {strides = array<i32>} : memref<2x9216xf32, #tpu.memory_space<vmem>>, vector<16xf32>,
        %lt3A_383 = arith.constant 3.000000e-01 : f32
        %lt3A_384 = vector.broadcast %lt3A_383 : f32 to vector<16xf32>
        %lt3A_385 = arith.cmpf olt, %get3A_382, %lt3A_384 : vector<16xf32>
        %max3A_386 = arith.constant 0.000000e+00 : f32
        %max3A_387 = vector.broadcast %max3A_386 : f32 to vector<16xf32>
        %max3A_388 = arith.maximumf %get3A_378, %max3A_387 : vector<16xf32>
        %jit3A_389 = arith.constant 0.000000e+00 : f32
        %broadcast_in_dim3A_390 = vector.broadcast %jit3A_389 : f32 to vector<16xf32>
        %select_n3A_391 = arith.select %lt3A_385, %max3A_388, %broadcast_in_dim3A_390 : vector<16xi1>, vector<16xf32>
        %add3A_392 = arith.constant 96 : i32
        %add3A_393 = arith.addi %mul3A_273, %add3A_392 : i32
        %multiple_of3A_394 = tpu.assume_multiple %add3A_393, 16 : i32
        %get3A_395 = arith.constant 0 : i32
        %get3A_396 = arith.index_cast %get3A_395 : i32 to index
        %get3A_397 = arith.index_cast %multiple_of3A_394 : i32 to index
        %get3A_398 = tpu.vector_load %arg5[%get3A_396, %get3A_397] {strides = array<i32>} : memref<2x9216xf32, #tpu.memory_space<vmem>>, vector<16xf32>,
        %get3A_399 = arith.constant 0 : i32
        %get3A_400 = arith.index_cast %get3A_399 : i32 to index
        %get3A_401 = arith.index_cast %multiple_of3A_394 : i32 to index
        %get3A_402 = tpu.vector_load %arg6[%get3A_400, %get3A_401] {strides = array<i32>} : memref<2x9216xf32, #tpu.memory_space<vmem>>, vector<16xf32>,
        %lt3A_403 = arith.constant 3.000000e-01 : f32
        %lt3A_404 = vector.broadcast %lt3A_403 : f32 to vector<16xf32>
        %lt3A_405 = arith.cmpf olt, %get3A_402, %lt3A_404 : vector<16xf32>
        %max3A_406 = arith.constant 0.000000e+00 : f32
        %max3A_407 = vector.broadcast %max3A_406 : f32 to vector<16xf32>
        %max3A_408 = arith.maximumf %get3A_398, %max3A_407 : vector<16xf32>
        %jit3A_409 = arith.constant 0.000000e+00 : f32
        %broadcast_in_dim3A_410 = vector.broadcast %jit3A_409 : f32 to vector<16xf32>
        %select_n3A_411 = arith.select %lt3A_405, %max3A_408, %broadcast_in_dim3A_410 : vector<16xi1>, vector<16xf32>
        %add3A_412 = arith.constant 112 : i32
        %add3A_413 = arith.addi %mul3A_273, %add3A_412 : i32
        %multiple_of3A_414 = tpu.assume_multiple %add3A_413, 16 : i32
        %get3A_415 = arith.constant 0 : i32
        %get3A_416 = arith.index_cast %get3A_415 : i32 to index
        %get3A_417 = arith.index_cast %multiple_of3A_414 : i32 to index
        %get3A_418 = tpu.vector_load %arg5[%get3A_416, %get3A_417] {strides = array<i32>} : memref<2x9216xf32, #tpu.memory_space<vmem>>, vector<16xf32>,
        %get3A_419 = arith.constant 0 : i32
        %get3A_420 = arith.index_cast %get3A_419 : i32 to index
        %get3A_421 = arith.index_cast %multiple_of3A_414 : i32 to index
        %get3A_422 = tpu.vector_load %arg6[%get3A_420, %get3A_421] {strides = array<i32>} : memref<2x9216xf32, #tpu.memory_space<vmem>>, vector<16xf32>,
        %lt3A_423 = arith.constant 3.000000e-01 : f32
        %lt3A_424 = vector.broadcast %lt3A_423 : f32 to vector<16xf32>
        %lt3A_425 = arith.cmpf olt, %get3A_422, %lt3A_424 : vector<16xf32>
        %max3A_426 = arith.constant 0.000000e+00 : f32
        %max3A_427 = vector.broadcast %max3A_426 : f32 to vector<16xf32>
        %max3A_428 = arith.maximumf %get3A_418, %max3A_427 : vector<16xf32>
        %jit3A_429 = arith.constant 0.000000e+00 : f32
        %broadcast_in_dim3A_430 = vector.broadcast %jit3A_429 : f32 to vector<16xf32>
        %select_n3A_431 = arith.select %lt3A_425, %max3A_428, %broadcast_in_dim3A_430 : vector<16xi1>, vector<16xf32>
        %sort3A_432 = arith.constant dense<true> : vector<16xi1>
        %sort3A_433, %sort3A_434, %sort3A_435 = tpu.sort %select_n3A_291, %select_n3A_291 masked %sort3A_432 : (vector<16xf32>, vector<16xf32>, vector<16xi1>) -> (vector<16xi1>, vector<16xf32>, vector<16xf32>)
        %masked_sort3A = arith.constant dense<true> : vector<16xi1>
        %masked_sort3A_436, %masked_sort3A_437, %masked_sort3A_438 = tpu.sort %select_n3A_311, %select_n3A_311 masked %masked_sort3A {descending = true} : (vector<16xf32>, vector<16xf32>, vector<16xi1>) -> (vector<16xi1>, vector<16xf32>, vector<16xf32>)
        %max3A_439 = arith.maximumf %sort3A_434, %masked_sort3A_437 : vector<16xf32>
        %masked_sort3A_440 = arith.constant dense<true> : vector<16xi1>
        %masked_sort3A_441, %masked_sort3A_442, %masked_sort3A_443 = tpu.sort %max3A_439, %max3A_439 masked %masked_sort3A_440 {descending = true} : (vector<16xf32>, vector<16xf32>, vector<16xi1>) -> (vector<16xi1>, vector<16xf32>, vector<16xf32>)
        %max3A_444 = arith.maximumf %scan3A_266, %masked_sort3A_442 : vector<16xf32>
        %sort3A_445 = arith.constant dense<true> : vector<16xi1>
        %sort3A_446, %sort3A_447, %sort3A_448 = tpu.sort %max3A_444, %max3A_444 masked %sort3A_445 : (vector<16xf32>, vector<16xf32>, vector<16xi1>) -> (vector<16xi1>, vector<16xf32>, vector<16xf32>)
        %sort3A_449 = arith.constant dense<true> : vector<16xi1>
        %sort3A_450, %sort3A_451, %sort3A_452 = tpu.sort %select_n3A_331, %select_n3A_331 masked %sort3A_449 : (vector<16xf32>, vector<16xf32>, vector<16xi1>) -> (vector<16xi1>, vector<16xf32>, vector<16xf32>)
        %masked_sort3A_453 = arith.constant dense<true> : vector<16xi1>
        %masked_sort3A_454, %masked_sort3A_455, %masked_sort3A_456 = tpu.sort %select_n3A_351, %select_n3A_351 masked %masked_sort3A_453 {descending = true} : (vector<16xf32>, vector<16xf32>, vector<16xi1>) -> (vector<16xi1>, vector<16xf32>, vector<16xf32>)
        %max3A_457 = arith.maximumf %sort3A_451, %masked_sort3A_455 : vector<16xf32>
        %masked_sort3A_458 = arith.constant dense<true> : vector<16xi1>
        %masked_sort3A_459, %masked_sort3A_460, %masked_sort3A_461 = tpu.sort %max3A_457, %max3A_457 masked %masked_sort3A_458 {descending = true} : (vector<16xf32>, vector<16xf32>, vector<16xi1>) -> (vector<16xi1>, vector<16xf32>, vector<16xf32>)
        %max3A_462 = arith.maximumf %scan3A_267, %masked_sort3A_460 : vector<16xf32>
        %sort3A_463 = arith.constant dense<true> : vector<16xi1>
        %sort3A_464, %sort3A_465, %sort3A_466 = tpu.sort %max3A_462, %max3A_462 masked %sort3A_463 : (vector<16xf32>, vector<16xf32>, vector<16xi1>) -> (vector<16xi1>, vector<16xf32>, vector<16xf32>)
        %sort3A_467 = arith.constant dense<true> : vector<16xi1>
        %sort3A_468, %sort3A_469, %sort3A_470 = tpu.sort %select_n3A_371, %select_n3A_371 masked %sort3A_467 : (vector<16xf32>, vector<16xf32>, vector<16xi1>) -> (vector<16xi1>, vector<16xf32>, vector<16xf32>)
        %masked_sort3A_471 = arith.constant dense<true> : vector<16xi1>
        %masked_sort3A_472, %masked_sort3A_473, %masked_sort3A_474 = tpu.sort %select_n3A_391, %select_n3A_391 masked %masked_sort3A_471 {descending = true} : (vector<16xf32>, vector<16xf32>, vector<16xi1>) -> (vector<16xi1>, vector<16xf32>, vector<16xf32>)
        %max3A_475 = arith.maximumf %sort3A_469, %masked_sort3A_473 : vector<16xf32>
        %masked_sort3A_476 = arith.constant dense<true> : vector<16xi1>
        %masked_sort3A_477, %masked_sort3A_478, %masked_sort3A_479 = tpu.sort %max3A_475, %max3A_475 masked %masked_sort3A_476 {descending = true} : (vector<16xf32>, vector<16xf32>, vector<16xi1>) -> (vector<16xi1>, vector<16xf32>, vector<16xf32>)
        %max3A_480 = arith.maximumf %scan3A_268, %masked_sort3A_478 : vector<16xf32>
        %sort3A_481 = arith.constant dense<true> : vector<16xi1>
        %sort3A_482, %sort3A_483, %sort3A_484 = tpu.sort %max3A_480, %max3A_480 masked %sort3A_481 : (vector<16xf32>, vector<16xf32>, vector<16xi1>) -> (vector<16xi1>, vector<16xf32>, vector<16xf32>)
        %sort3A_485 = arith.constant dense<true> : vector<16xi1>
        %sort3A_486, %sort3A_487, %sort3A_488 = tpu.sort %select_n3A_411, %select_n3A_411 masked %sort3A_485 : (vector<16xf32>, vector<16xf32>, vector<16xi1>) -> (vector<16xi1>, vector<16xf32>, vector<16xf32>)
        %masked_sort3A_489 = arith.constant dense<true> : vector<16xi1>
        %masked_sort3A_490, %masked_sort3A_491, %masked_sort3A_492 = tpu.sort %select_n3A_431, %select_n3A_431 masked %masked_sort3A_489 {descending = true} : (vector<16xf32>, vector<16xf32>, vector<16xi1>) -> (vector<16xi1>, vector<16xf32>, vector<16xf32>)
        %max3A_493 = arith.maximumf %sort3A_487, %masked_sort3A_491 : vector<16xf32>
        %masked_sort3A_494 = arith.constant dense<true> : vector<16xi1>
        %masked_sort3A_495, %masked_sort3A_496, %masked_sort3A_497 = tpu.sort %max3A_493, %max3A_493 masked %masked_sort3A_494 {descending = true} : (vector<16xf32>, vector<16xf32>, vector<16xi1>) -> (vector<16xi1>, vector<16xf32>, vector<16xf32>)
        %max3A_498 = arith.maximumf %scan3A_269, %masked_sort3A_496 : vector<16xf32>
        %sort3A_499 = arith.constant dense<true> : vector<16xi1>
        %sort3A_500, %sort3A_501, %sort3A_502 = tpu.sort %max3A_498, %max3A_498 masked %sort3A_499 : (vector<16xf32>, vector<16xf32>, vector<16xi1>) -> (vector<16xi1>, vector<16xf32>, vector<16xf32>)
        scf.yield %sort3A_447, %sort3A_465, %sort3A_483, %sort3A_501 : vector<16xf32>, vector<16xf32>, vector<16xf32>, vector<16xf32>
      }
      %scan3A_62 = arith.constant 72 : i32
      %rev3A = arith.constant 15 : i32
      %rev3A_63 = vector.broadcast %rev3A : i32 to vector<16xi32>
      %rev3A_64 = tpu.iota {dimensions = array<i32: 0>} : vector<16xi32>
      %rev3A_65 = arith.subi %rev3A_63, %rev3A_64 : vector<16xi32>
      %rev3A_66 = tpu.dynamic_gather %scan3A_61#1[%rev3A_65] in [0] : vector<16xf32>, vector<16xi32> -> vector<16xf32>
      %max3A = arith.maximumf %scan3A_61#0, %rev3A_66 : vector<16xf32>
      %sort3A = arith.constant dense<true> : vector<16xi1>
      %sort3A_67, %sort3A_68, %sort3A_69 = tpu.sort %max3A, %max3A masked %sort3A : (vector<16xf32>, vector<16xf32>, vector<16xi1>) -> (vector<16xi1>, vector<16xf32>, vector<16xf32>)
      %rev3A_70 = arith.constant 15 : i32
      %rev3A_71 = vector.broadcast %rev3A_70 : i32 to vector<16xi32>
      %rev3A_72 = tpu.iota {dimensions = array<i32: 0>} : vector<16xi32>
      %rev3A_73 = arith.subi %rev3A_71, %rev3A_72 : vector<16xi32>
      %rev3A_74 = tpu.dynamic_gather %scan3A_61#3[%rev3A_73] in [0] : vector<16xf32>, vector<16xi32> -> vector<16xf32>
      %max3A_75 = arith.maximumf %scan3A_61#2, %rev3A_74 : vector<16xf32>
      %sort3A_76 = arith.constant dense<true> : vector<16xi1>
      %sort3A_77, %sort3A_78, %sort3A_79 = tpu.sort %max3A_75, %max3A_75 masked %sort3A_76 : (vector<16xf32>, vector<16xf32>, vector<16xi1>) -> (vector<16xi1>, vector<16xf32>, vector<16xf32>)
      %rev3A_80 = arith.constant 15 : i32
      %rev3A_81 = vector.broadcast %rev3A_80 : i32 to vector<16xi32>
      %rev3A_82 = tpu.iota {dimensions = array<i32: 0>} : vector<16xi32>
      %rev3A_83 = arith.subi %rev3A_81, %rev3A_82 : vector<16xi32>
      %rev3A_84 = tpu.dynamic_gather %sort3A_78[%rev3A_83] in [0] : vector<16xf32>, vector<16xi32> -> vector<16xf32>
      %max3A_85 = arith.maximumf %sort3A_68, %rev3A_84 : vector<16xf32>
      %sort3A_86 = arith.constant dense<true> : vector<16xi1>
      %sort3A_87, %sort3A_88, %sort3A_89 = tpu.sort %max3A_85, %max3A_85 masked %sort3A_86 : (vector<16xf32>, vector<16xf32>, vector<16xi1>) -> (vector<16xi1>, vector<16xf32>, vector<16xf32>)
      %ge3A = arith.constant 8 : i32
      %ge3A_90 = vector.broadcast %ge3A : i32 to vector<16xi32>
      %ge3A_91 = arith.cmpi sge, %iota3A, %ge3A_90 : vector<16xi32>
      %jit3A_92 = arith.constant 0.000000e+00 : f32
      %broadcast_in_dim3A_93 = vector.broadcast %jit3A_92 : f32 to vector<16xf32>
      %select_n3A_94 = arith.select %ge3A_91, %sort3A_88, %broadcast_in_dim3A_93 : vector<16xi1>, vector<16xf32>
      %add3A_95 = arith.addf %scan3A_28, %select_n3A_94 : vector<16xf32>
      %broadcast_in_dim3A_96 = arith.constant 0.000000e+00 : f32
      %broadcast_in_dim3A_97 = vector.broadcast %broadcast_in_dim3A_96 : f32 to vector<16xf32>
      %broadcast_in_dim3A_98 = arith.constant 0.000000e+00 : f32
      %broadcast_in_dim3A_99 = vector.broadcast %broadcast_in_dim3A_98 : f32 to vector<16xf32>
      %broadcast_in_dim3A_100 = arith.constant 0.000000e+00 : f32
      %broadcast_in_dim3A_101 = vector.broadcast %broadcast_in_dim3A_100 : f32 to vector<16xf32>
      %broadcast_in_dim3A_102 = arith.constant 0.000000e+00 : f32
      %broadcast_in_dim3A_103 = vector.broadcast %broadcast_in_dim3A_102 : f32 to vector<16xf32>
      %scan3A_104 = arith.constant 0 : i32
      %scan3A_105 = arith.constant 72 : i32
      %scan3A_106 = arith.addi %scan3A_104, %scan3A_105 : i32
      %scan3A_107 = arith.constant 1 : i32
      %scan3A_108:4 = scf.for %scan3A_265 = %scan3A_104 to %scan3A_106 step %scan3A_107 iter_args(%scan3A_266 = %broadcast_in_dim3A_97, %scan3A_267 = %broadcast_in_dim3A_99, %scan3A_268 = %broadcast_in_dim3A_101, %scan3A_269 = %broadcast_in_dim3A_103) -> (vector<16xf32>, vector<16xf32>, vector<16xf32>, vector<16xf32>)  : i32 {
        %mul3A_270 = arith.constant 8 : i32
        %mul3A_271 = arith.muli %scan3A_265, %mul3A_270 : i32
        %mul3A_272 = arith.constant 16 : i32
        %mul3A_273 = arith.muli %mul3A_271, %mul3A_272 : i32
        %add3A_274 = arith.constant 0 : i32
        %add3A_275 = arith.addi %mul3A_273, %add3A_274 : i32
        %multiple_of3A = tpu.assume_multiple %add3A_275, 16 : i32
        %get3A = arith.constant 1 : i32
        %get3A_276 = arith.index_cast %get3A : i32 to index
        %get3A_277 = arith.index_cast %multiple_of3A : i32 to index
        %get3A_278 = tpu.vector_load %arg5[%get3A_276, %get3A_277] {strides = array<i32>} : memref<2x9216xf32, #tpu.memory_space<vmem>>, vector<16xf32>,
        %get3A_279 = arith.constant 1 : i32
        %get3A_280 = arith.index_cast %get3A_279 : i32 to index
        %get3A_281 = arith.index_cast %multiple_of3A : i32 to index
        %get3A_282 = tpu.vector_load %arg6[%get3A_280, %get3A_281] {strides = array<i32>} : memref<2x9216xf32, #tpu.memory_space<vmem>>, vector<16xf32>,
        %lt3A_283 = arith.constant 3.000000e-01 : f32
        %lt3A_284 = vector.broadcast %lt3A_283 : f32 to vector<16xf32>
        %lt3A_285 = arith.cmpf olt, %get3A_282, %lt3A_284 : vector<16xf32>
        %max3A_286 = arith.constant 0.000000e+00 : f32
        %max3A_287 = vector.broadcast %max3A_286 : f32 to vector<16xf32>
        %max3A_288 = arith.maximumf %get3A_278, %max3A_287 : vector<16xf32>
        %jit3A_289 = arith.constant 0.000000e+00 : f32
        %broadcast_in_dim3A_290 = vector.broadcast %jit3A_289 : f32 to vector<16xf32>
        %select_n3A_291 = arith.select %lt3A_285, %max3A_288, %broadcast_in_dim3A_290 : vector<16xi1>, vector<16xf32>
        %add3A_292 = arith.constant 16 : i32
        %add3A_293 = arith.addi %mul3A_273, %add3A_292 : i32
        %multiple_of3A_294 = tpu.assume_multiple %add3A_293, 16 : i32
        %get3A_295 = arith.constant 1 : i32
        %get3A_296 = arith.index_cast %get3A_295 : i32 to index
        %get3A_297 = arith.index_cast %multiple_of3A_294 : i32 to index
        %get3A_298 = tpu.vector_load %arg5[%get3A_296, %get3A_297] {strides = array<i32>} : memref<2x9216xf32, #tpu.memory_space<vmem>>, vector<16xf32>,
        %get3A_299 = arith.constant 1 : i32
        %get3A_300 = arith.index_cast %get3A_299 : i32 to index
        %get3A_301 = arith.index_cast %multiple_of3A_294 : i32 to index
        %get3A_302 = tpu.vector_load %arg6[%get3A_300, %get3A_301] {strides = array<i32>} : memref<2x9216xf32, #tpu.memory_space<vmem>>, vector<16xf32>,
        %lt3A_303 = arith.constant 3.000000e-01 : f32
        %lt3A_304 = vector.broadcast %lt3A_303 : f32 to vector<16xf32>
        %lt3A_305 = arith.cmpf olt, %get3A_302, %lt3A_304 : vector<16xf32>
        %max3A_306 = arith.constant 0.000000e+00 : f32
        %max3A_307 = vector.broadcast %max3A_306 : f32 to vector<16xf32>
        %max3A_308 = arith.maximumf %get3A_298, %max3A_307 : vector<16xf32>
        %jit3A_309 = arith.constant 0.000000e+00 : f32
        %broadcast_in_dim3A_310 = vector.broadcast %jit3A_309 : f32 to vector<16xf32>
        %select_n3A_311 = arith.select %lt3A_305, %max3A_308, %broadcast_in_dim3A_310 : vector<16xi1>, vector<16xf32>
        %add3A_312 = arith.constant 32 : i32
        %add3A_313 = arith.addi %mul3A_273, %add3A_312 : i32
        %multiple_of3A_314 = tpu.assume_multiple %add3A_313, 16 : i32
        %get3A_315 = arith.constant 1 : i32
        %get3A_316 = arith.index_cast %get3A_315 : i32 to index
        %get3A_317 = arith.index_cast %multiple_of3A_314 : i32 to index
        %get3A_318 = tpu.vector_load %arg5[%get3A_316, %get3A_317] {strides = array<i32>} : memref<2x9216xf32, #tpu.memory_space<vmem>>, vector<16xf32>,
        %get3A_319 = arith.constant 1 : i32
        %get3A_320 = arith.index_cast %get3A_319 : i32 to index
        %get3A_321 = arith.index_cast %multiple_of3A_314 : i32 to index
        %get3A_322 = tpu.vector_load %arg6[%get3A_320, %get3A_321] {strides = array<i32>} : memref<2x9216xf32, #tpu.memory_space<vmem>>, vector<16xf32>,
        %lt3A_323 = arith.constant 3.000000e-01 : f32
        %lt3A_324 = vector.broadcast %lt3A_323 : f32 to vector<16xf32>
        %lt3A_325 = arith.cmpf olt, %get3A_322, %lt3A_324 : vector<16xf32>
        %max3A_326 = arith.constant 0.000000e+00 : f32
        %max3A_327 = vector.broadcast %max3A_326 : f32 to vector<16xf32>
        %max3A_328 = arith.maximumf %get3A_318, %max3A_327 : vector<16xf32>
        %jit3A_329 = arith.constant 0.000000e+00 : f32
        %broadcast_in_dim3A_330 = vector.broadcast %jit3A_329 : f32 to vector<16xf32>
        %select_n3A_331 = arith.select %lt3A_325, %max3A_328, %broadcast_in_dim3A_330 : vector<16xi1>, vector<16xf32>
        %add3A_332 = arith.constant 48 : i32
        %add3A_333 = arith.addi %mul3A_273, %add3A_332 : i32
        %multiple_of3A_334 = tpu.assume_multiple %add3A_333, 16 : i32
        %get3A_335 = arith.constant 1 : i32
        %get3A_336 = arith.index_cast %get3A_335 : i32 to index
        %get3A_337 = arith.index_cast %multiple_of3A_334 : i32 to index
        %get3A_338 = tpu.vector_load %arg5[%get3A_336, %get3A_337] {strides = array<i32>} : memref<2x9216xf32, #tpu.memory_space<vmem>>, vector<16xf32>,
        %get3A_339 = arith.constant 1 : i32
        %get3A_340 = arith.index_cast %get3A_339 : i32 to index
        %get3A_341 = arith.index_cast %multiple_of3A_334 : i32 to index
        %get3A_342 = tpu.vector_load %arg6[%get3A_340, %get3A_341] {strides = array<i32>} : memref<2x9216xf32, #tpu.memory_space<vmem>>, vector<16xf32>,
        %lt3A_343 = arith.constant 3.000000e-01 : f32
        %lt3A_344 = vector.broadcast %lt3A_343 : f32 to vector<16xf32>
        %lt3A_345 = arith.cmpf olt, %get3A_342, %lt3A_344 : vector<16xf32>
        %max3A_346 = arith.constant 0.000000e+00 : f32
        %max3A_347 = vector.broadcast %max3A_346 : f32 to vector<16xf32>
        %max3A_348 = arith.maximumf %get3A_338, %max3A_347 : vector<16xf32>
        %jit3A_349 = arith.constant 0.000000e+00 : f32
        %broadcast_in_dim3A_350 = vector.broadcast %jit3A_349 : f32 to vector<16xf32>
        %select_n3A_351 = arith.select %lt3A_345, %max3A_348, %broadcast_in_dim3A_350 : vector<16xi1>, vector<16xf32>
        %add3A_352 = arith.constant 64 : i32
        %add3A_353 = arith.addi %mul3A_273, %add3A_352 : i32
        %multiple_of3A_354 = tpu.assume_multiple %add3A_353, 16 : i32
        %get3A_355 = arith.constant 1 : i32
        %get3A_356 = arith.index_cast %get3A_355 : i32 to index
        %get3A_357 = arith.index_cast %multiple_of3A_354 : i32 to index
        %get3A_358 = tpu.vector_load %arg5[%get3A_356, %get3A_357] {strides = array<i32>} : memref<2x9216xf32, #tpu.memory_space<vmem>>, vector<16xf32>,
        %get3A_359 = arith.constant 1 : i32
        %get3A_360 = arith.index_cast %get3A_359 : i32 to index
        %get3A_361 = arith.index_cast %multiple_of3A_354 : i32 to index
        %get3A_362 = tpu.vector_load %arg6[%get3A_360, %get3A_361] {strides = array<i32>} : memref<2x9216xf32, #tpu.memory_space<vmem>>, vector<16xf32>,
        %lt3A_363 = arith.constant 3.000000e-01 : f32
        %lt3A_364 = vector.broadcast %lt3A_363 : f32 to vector<16xf32>
        %lt3A_365 = arith.cmpf olt, %get3A_362, %lt3A_364 : vector<16xf32>
        %max3A_366 = arith.constant 0.000000e+00 : f32
        %max3A_367 = vector.broadcast %max3A_366 : f32 to vector<16xf32>
        %max3A_368 = arith.maximumf %get3A_358, %max3A_367 : vector<16xf32>
        %jit3A_369 = arith.constant 0.000000e+00 : f32
        %broadcast_in_dim3A_370 = vector.broadcast %jit3A_369 : f32 to vector<16xf32>
        %select_n3A_371 = arith.select %lt3A_365, %max3A_368, %broadcast_in_dim3A_370 : vector<16xi1>, vector<16xf32>
        %add3A_372 = arith.constant 80 : i32
        %add3A_373 = arith.addi %mul3A_273, %add3A_372 : i32
        %multiple_of3A_374 = tpu.assume_multiple %add3A_373, 16 : i32
        %get3A_375 = arith.constant 1 : i32
        %get3A_376 = arith.index_cast %get3A_375 : i32 to index
        %get3A_377 = arith.index_cast %multiple_of3A_374 : i32 to index
        %get3A_378 = tpu.vector_load %arg5[%get3A_376, %get3A_377] {strides = array<i32>} : memref<2x9216xf32, #tpu.memory_space<vmem>>, vector<16xf32>,
        %get3A_379 = arith.constant 1 : i32
        %get3A_380 = arith.index_cast %get3A_379 : i32 to index
        %get3A_381 = arith.index_cast %multiple_of3A_374 : i32 to index
        %get3A_382 = tpu.vector_load %arg6[%get3A_380, %get3A_381] {strides = array<i32>} : memref<2x9216xf32, #tpu.memory_space<vmem>>, vector<16xf32>,
        %lt3A_383 = arith.constant 3.000000e-01 : f32
        %lt3A_384 = vector.broadcast %lt3A_383 : f32 to vector<16xf32>
        %lt3A_385 = arith.cmpf olt, %get3A_382, %lt3A_384 : vector<16xf32>
        %max3A_386 = arith.constant 0.000000e+00 : f32
        %max3A_387 = vector.broadcast %max3A_386 : f32 to vector<16xf32>
        %max3A_388 = arith.maximumf %get3A_378, %max3A_387 : vector<16xf32>
        %jit3A_389 = arith.constant 0.000000e+00 : f32
        %broadcast_in_dim3A_390 = vector.broadcast %jit3A_389 : f32 to vector<16xf32>
        %select_n3A_391 = arith.select %lt3A_385, %max3A_388, %broadcast_in_dim3A_390 : vector<16xi1>, vector<16xf32>
        %add3A_392 = arith.constant 96 : i32
        %add3A_393 = arith.addi %mul3A_273, %add3A_392 : i32
        %multiple_of3A_394 = tpu.assume_multiple %add3A_393, 16 : i32
        %get3A_395 = arith.constant 1 : i32
        %get3A_396 = arith.index_cast %get3A_395 : i32 to index
        %get3A_397 = arith.index_cast %multiple_of3A_394 : i32 to index
        %get3A_398 = tpu.vector_load %arg5[%get3A_396, %get3A_397] {strides = array<i32>} : memref<2x9216xf32, #tpu.memory_space<vmem>>, vector<16xf32>,
        %get3A_399 = arith.constant 1 : i32
        %get3A_400 = arith.index_cast %get3A_399 : i32 to index
        %get3A_401 = arith.index_cast %multiple_of3A_394 : i32 to index
        %get3A_402 = tpu.vector_load %arg6[%get3A_400, %get3A_401] {strides = array<i32>} : memref<2x9216xf32, #tpu.memory_space<vmem>>, vector<16xf32>,
        %lt3A_403 = arith.constant 3.000000e-01 : f32
        %lt3A_404 = vector.broadcast %lt3A_403 : f32 to vector<16xf32>
        %lt3A_405 = arith.cmpf olt, %get3A_402, %lt3A_404 : vector<16xf32>
        %max3A_406 = arith.constant 0.000000e+00 : f32
        %max3A_407 = vector.broadcast %max3A_406 : f32 to vector<16xf32>
        %max3A_408 = arith.maximumf %get3A_398, %max3A_407 : vector<16xf32>
        %jit3A_409 = arith.constant 0.000000e+00 : f32
        %broadcast_in_dim3A_410 = vector.broadcast %jit3A_409 : f32 to vector<16xf32>
        %select_n3A_411 = arith.select %lt3A_405, %max3A_408, %broadcast_in_dim3A_410 : vector<16xi1>, vector<16xf32>
        %add3A_412 = arith.constant 112 : i32
        %add3A_413 = arith.addi %mul3A_273, %add3A_412 : i32
        %multiple_of3A_414 = tpu.assume_multiple %add3A_413, 16 : i32
        %get3A_415 = arith.constant 1 : i32
        %get3A_416 = arith.index_cast %get3A_415 : i32 to index
        %get3A_417 = arith.index_cast %multiple_of3A_414 : i32 to index
        %get3A_418 = tpu.vector_load %arg5[%get3A_416, %get3A_417] {strides = array<i32>} : memref<2x9216xf32, #tpu.memory_space<vmem>>, vector<16xf32>,
        %get3A_419 = arith.constant 1 : i32
        %get3A_420 = arith.index_cast %get3A_419 : i32 to index
        %get3A_421 = arith.index_cast %multiple_of3A_414 : i32 to index
        %get3A_422 = tpu.vector_load %arg6[%get3A_420, %get3A_421] {strides = array<i32>} : memref<2x9216xf32, #tpu.memory_space<vmem>>, vector<16xf32>,
        %lt3A_423 = arith.constant 3.000000e-01 : f32
        %lt3A_424 = vector.broadcast %lt3A_423 : f32 to vector<16xf32>
        %lt3A_425 = arith.cmpf olt, %get3A_422, %lt3A_424 : vector<16xf32>
        %max3A_426 = arith.constant 0.000000e+00 : f32
        %max3A_427 = vector.broadcast %max3A_426 : f32 to vector<16xf32>
        %max3A_428 = arith.maximumf %get3A_418, %max3A_427 : vector<16xf32>
        %jit3A_429 = arith.constant 0.000000e+00 : f32
        %broadcast_in_dim3A_430 = vector.broadcast %jit3A_429 : f32 to vector<16xf32>
        %select_n3A_431 = arith.select %lt3A_425, %max3A_428, %broadcast_in_dim3A_430 : vector<16xi1>, vector<16xf32>
        %sort3A_432 = arith.constant dense<true> : vector<16xi1>
        %sort3A_433, %sort3A_434, %sort3A_435 = tpu.sort %select_n3A_291, %select_n3A_291 masked %sort3A_432 : (vector<16xf32>, vector<16xf32>, vector<16xi1>) -> (vector<16xi1>, vector<16xf32>, vector<16xf32>)
        %masked_sort3A = arith.constant dense<true> : vector<16xi1>
        %masked_sort3A_436, %masked_sort3A_437, %masked_sort3A_438 = tpu.sort %select_n3A_311, %select_n3A_311 masked %masked_sort3A {descending = true} : (vector<16xf32>, vector<16xf32>, vector<16xi1>) -> (vector<16xi1>, vector<16xf32>, vector<16xf32>)
        %max3A_439 = arith.maximumf %sort3A_434, %masked_sort3A_437 : vector<16xf32>
        %masked_sort3A_440 = arith.constant dense<true> : vector<16xi1>
        %masked_sort3A_441, %masked_sort3A_442, %masked_sort3A_443 = tpu.sort %max3A_439, %max3A_439 masked %masked_sort3A_440 {descending = true} : (vector<16xf32>, vector<16xf32>, vector<16xi1>) -> (vector<16xi1>, vector<16xf32>, vector<16xf32>)
        %max3A_444 = arith.maximumf %scan3A_266, %masked_sort3A_442 : vector<16xf32>
        %sort3A_445 = arith.constant dense<true> : vector<16xi1>
        %sort3A_446, %sort3A_447, %sort3A_448 = tpu.sort %max3A_444, %max3A_444 masked %sort3A_445 : (vector<16xf32>, vector<16xf32>, vector<16xi1>) -> (vector<16xi1>, vector<16xf32>, vector<16xf32>)
        %sort3A_449 = arith.constant dense<true> : vector<16xi1>
        %sort3A_450, %sort3A_451, %sort3A_452 = tpu.sort %select_n3A_331, %select_n3A_331 masked %sort3A_449 : (vector<16xf32>, vector<16xf32>, vector<16xi1>) -> (vector<16xi1>, vector<16xf32>, vector<16xf32>)
        %masked_sort3A_453 = arith.constant dense<true> : vector<16xi1>
        %masked_sort3A_454, %masked_sort3A_455, %masked_sort3A_456 = tpu.sort %select_n3A_351, %select_n3A_351 masked %masked_sort3A_453 {descending = true} : (vector<16xf32>, vector<16xf32>, vector<16xi1>) -> (vector<16xi1>, vector<16xf32>, vector<16xf32>)
        %max3A_457 = arith.maximumf %sort3A_451, %masked_sort3A_455 : vector<16xf32>
        %masked_sort3A_458 = arith.constant dense<true> : vector<16xi1>
        %masked_sort3A_459, %masked_sort3A_460, %masked_sort3A_461 = tpu.sort %max3A_457, %max3A_457 masked %masked_sort3A_458 {descending = true} : (vector<16xf32>, vector<16xf32>, vector<16xi1>) -> (vector<16xi1>, vector<16xf32>, vector<16xf32>)
        %max3A_462 = arith.maximumf %scan3A_267, %masked_sort3A_460 : vector<16xf32>
        %sort3A_463 = arith.constant dense<true> : vector<16xi1>
        %sort3A_464, %sort3A_465, %sort3A_466 = tpu.sort %max3A_462, %max3A_462 masked %sort3A_463 : (vector<16xf32>, vector<16xf32>, vector<16xi1>) -> (vector<16xi1>, vector<16xf32>, vector<16xf32>)
        %sort3A_467 = arith.constant dense<true> : vector<16xi1>
        %sort3A_468, %sort3A_469, %sort3A_470 = tpu.sort %select_n3A_371, %select_n3A_371 masked %sort3A_467 : (vector<16xf32>, vector<16xf32>, vector<16xi1>) -> (vector<16xi1>, vector<16xf32>, vector<16xf32>)
        %masked_sort3A_471 = arith.constant dense<true> : vector<16xi1>
        %masked_sort3A_472, %masked_sort3A_473, %masked_sort3A_474 = tpu.sort %select_n3A_391, %select_n3A_391 masked %masked_sort3A_471 {descending = true} : (vector<16xf32>, vector<16xf32>, vector<16xi1>) -> (vector<16xi1>, vector<16xf32>, vector<16xf32>)
        %max3A_475 = arith.maximumf %sort3A_469, %masked_sort3A_473 : vector<16xf32>
        %masked_sort3A_476 = arith.constant dense<true> : vector<16xi1>
        %masked_sort3A_477, %masked_sort3A_478, %masked_sort3A_479 = tpu.sort %max3A_475, %max3A_475 masked %masked_sort3A_476 {descending = true} : (vector<16xf32>, vector<16xf32>, vector<16xi1>) -> (vector<16xi1>, vector<16xf32>, vector<16xf32>)
        %max3A_480 = arith.maximumf %scan3A_268, %masked_sort3A_478 : vector<16xf32>
        %sort3A_481 = arith.constant dense<true> : vector<16xi1>
        %sort3A_482, %sort3A_483, %sort3A_484 = tpu.sort %max3A_480, %max3A_480 masked %sort3A_481 : (vector<16xf32>, vector<16xf32>, vector<16xi1>) -> (vector<16xi1>, vector<16xf32>, vector<16xf32>)
        %sort3A_485 = arith.constant dense<true> : vector<16xi1>
        %sort3A_486, %sort3A_487, %sort3A_488 = tpu.sort %select_n3A_411, %select_n3A_411 masked %sort3A_485 : (vector<16xf32>, vector<16xf32>, vector<16xi1>) -> (vector<16xi1>, vector<16xf32>, vector<16xf32>)
        %masked_sort3A_489 = arith.constant dense<true> : vector<16xi1>
        %masked_sort3A_490, %masked_sort3A_491, %masked_sort3A_492 = tpu.sort %select_n3A_431, %select_n3A_431 masked %masked_sort3A_489 {descending = true} : (vector<16xf32>, vector<16xf32>, vector<16xi1>) -> (vector<16xi1>, vector<16xf32>, vector<16xf32>)
        %max3A_493 = arith.maximumf %sort3A_487, %masked_sort3A_491 : vector<16xf32>
        %masked_sort3A_494 = arith.constant dense<true> : vector<16xi1>
        %masked_sort3A_495, %masked_sort3A_496, %masked_sort3A_497 = tpu.sort %max3A_493, %max3A_493 masked %masked_sort3A_494 {descending = true} : (vector<16xf32>, vector<16xf32>, vector<16xi1>) -> (vector<16xi1>, vector<16xf32>, vector<16xf32>)
        %max3A_498 = arith.maximumf %scan3A_269, %masked_sort3A_496 : vector<16xf32>
        %sort3A_499 = arith.constant dense<true> : vector<16xi1>
        %sort3A_500, %sort3A_501, %sort3A_502 = tpu.sort %max3A_498, %max3A_498 masked %sort3A_499 : (vector<16xf32>, vector<16xf32>, vector<16xi1>) -> (vector<16xi1>, vector<16xf32>, vector<16xf32>)
        scf.yield %sort3A_447, %sort3A_465, %sort3A_483, %sort3A_501 : vector<16xf32>, vector<16xf32>, vector<16xf32>, vector<16xf32>
      }
      %scan3A_109 = arith.constant 72 : i32
      %rev3A_110 = arith.constant 15 : i32
      %rev3A_111 = vector.broadcast %rev3A_110 : i32 to vector<16xi32>
      %rev3A_112 = tpu.iota {dimensions = array<i32: 0>} : vector<16xi32>
      %rev3A_113 = arith.subi %rev3A_111, %rev3A_112 : vector<16xi32>
      %rev3A_114 = tpu.dynamic_gather %scan3A_108#1[%rev3A_113] in [0] : vector<16xf32>, vector<16xi32> -> vector<16xf32>
      %max3A_115 = arith.maximumf %scan3A_108#0, %rev3A_114 : vector<16xf32>
      %sort3A_116 = arith.constant dense<true> : vector<16xi1>
      %sort3A_117, %sort3A_118, %sort3A_119 = tpu.sort %max3A_115, %max3A_115 masked %sort3A_116 : (vector<16xf32>, vector<16xf32>, vector<16xi1>) -> (vector<16xi1>, vector<16xf32>, vector<16xf32>)
      %rev3A_120 = arith.constant 15 : i32
      %rev3A_121 = vector.broadcast %rev3A_120 : i32 to vector<16xi32>
      %rev3A_122 = tpu.iota {dimensions = array<i32: 0>} : vector<16xi32>
      %rev3A_123 = arith.subi %rev3A_121, %rev3A_122 : vector<16xi32>
      %rev3A_124 = tpu.dynamic_gather %scan3A_108#3[%rev3A_123] in [0] : vector<16xf32>, vector<16xi32> -> vector<16xf32>
      %max3A_125 = arith.maximumf %scan3A_108#2, %rev3A_124 : vector<16xf32>
      %sort3A_126 = arith.constant dense<true> : vector<16xi1>
      %sort3A_127, %sort3A_128, %sort3A_129 = tpu.sort %max3A_125, %max3A_125 masked %sort3A_126 : (vector<16xf32>, vector<16xf32>, vector<16xi1>) -> (vector<16xi1>, vector<16xf32>, vector<16xf32>)
      %rev3A_130 = arith.constant 15 : i32
      %rev3A_131 = vector.broadcast %rev3A_130 : i32 to vector<16xi32>
      %rev3A_132 = tpu.iota {dimensions = array<i32: 0>} : vector<16xi32>
      %rev3A_133 = arith.subi %rev3A_131, %rev3A_132 : vector<16xi32>
      %rev3A_134 = tpu.dynamic_gather %sort3A_128[%rev3A_133] in [0] : vector<16xf32>, vector<16xi32> -> vector<16xf32>
      %max3A_135 = arith.maximumf %sort3A_118, %rev3A_134 : vector<16xf32>
      %sort3A_136 = arith.constant dense<true> : vector<16xi1>
      %sort3A_137, %sort3A_138, %sort3A_139 = tpu.sort %max3A_135, %max3A_135 masked %sort3A_136 : (vector<16xf32>, vector<16xf32>, vector<16xi1>) -> (vector<16xi1>, vector<16xf32>, vector<16xf32>)
      %ge3A_140 = arith.constant 8 : i32
      %ge3A_141 = vector.broadcast %ge3A_140 : i32 to vector<16xi32>
      %ge3A_142 = arith.cmpi sge, %iota3A, %ge3A_141 : vector<16xi32>
      %jit3A_143 = arith.constant 0.000000e+00 : f32
      %broadcast_in_dim3A_144 = vector.broadcast %jit3A_143 : f32 to vector<16xf32>
      %select_n3A_145 = arith.select %ge3A_142, %sort3A_138, %broadcast_in_dim3A_144 : vector<16xi1>, vector<16xf32>
      %add3A_146 = arith.addf %add3A_95, %select_n3A_145 : vector<16xf32>
      %mul3A_147 = arith.constant 4 : i32
      %mul3A_148 = arith.muli %scan3A_27, %mul3A_147 : i32
      %add3A_149 = arith.constant 4 : i32
      %add3A_150 = arith.addi %mul3A_148, %add3A_149 : i32
      %lt3A = arith.constant 128 : i32
      %lt3A_151 = arith.cmpi slt, %add3A_150, %lt3A : i32
      %convert_element_type3A = arith.extui %lt3A_151 : i1 to i32
      %cond3A = arith.constant 0 : i32
      %cond3A_152 = arith.cmpi ne, %convert_element_type3A, %cond3A : i32
      scf.if %cond3A_152 {
        %add3A_265 = arith.constant 4 : i32
        %add3A_266 = arith.addi %add3A_31, %add3A_265 : i32
        %dma_start3A_267 = arith.constant 0 : i32
        %dma_start3A_268 = tpu.memref_slice %arg2[%add3A_266, %dma_start3A_267] : memref<4096x9216xf32, #tpu.memory_space<hbm>> -> memref<2x9216xf32, #tpu.memory_space<hbm>>
        %dma_start3A_269 = arith.constant 0 : i32
        %dma_start3A_270 = tpu.memref_slice %arg2[%add3A_266, %dma_start3A_269] : memref<4096x9216xf32, #tpu.memory_space<hbm>> -> memref<2x9216xf32, #tpu.memory_space<hbm>>
        tpu.enqueue_dma source(%dma_start3A_270 : memref<2x9216xf32, #tpu.memory_space<hbm>>) target(%arg5 : memref<2x9216xf32, #tpu.memory_space<vmem>>) target_semaphore(%arg10 : memref<!tpu.dma_semaphore, #tpu.memory_space<semaphore_mem>>)
        %dma_start3A_271 = arith.constant 0 : i32
        %dma_start3A_272 = tpu.memref_slice %arg3[%add3A_266, %dma_start3A_271] : memref<4096x9216xf32, #tpu.memory_space<hbm>> -> memref<2x9216xf32, #tpu.memory_space<hbm>>
        %dma_start3A_273 = arith.constant 0 : i32
        %dma_start3A_274 = tpu.memref_slice %arg3[%add3A_266, %dma_start3A_273] : memref<4096x9216xf32, #tpu.memory_space<hbm>> -> memref<2x9216xf32, #tpu.memory_space<hbm>>
        tpu.enqueue_dma source(%dma_start3A_274 : memref<2x9216xf32, #tpu.memory_space<hbm>>) target(%arg6 : memref<2x9216xf32, #tpu.memory_space<vmem>>) target_semaphore(%arg10 : memref<!tpu.dma_semaphore, #tpu.memory_space<semaphore_mem>>)
      } else {
      }
      %add3A_153 = arith.constant 2 : i32
      %add3A_154 = arith.addi %add3A_31, %add3A_153 : i32
      %dma_wait3A_155 = arith.constant 0 : i32
      %dma_wait3A_156 = tpu.memref_slice %arg2[%add3A_154, %dma_wait3A_155] : memref<4096x9216xf32, #tpu.memory_space<hbm>> -> memref<2x9216xf32, #tpu.memory_space<hbm>>
      %dma_wait3A_157 = arith.constant 0 : i32
      %dma_wait3A_158 = tpu.memref_slice %arg2[%add3A_154, %dma_wait3A_157] : memref<4096x9216xf32, #tpu.memory_space<hbm>> -> memref<2x9216xf32, #tpu.memory_space<hbm>>
      tpu.wait_dma2 semaphore(%arg11 : memref<!tpu.dma_semaphore, #tpu.memory_space<semaphore_mem>>) src(%dma_wait3A_158 : memref<2x9216xf32, #tpu.memory_space<hbm>>) dst(%arg7 : memref<2x9216xf32, #tpu.memory_space<vmem>>)
      %dma_wait3A_159 = arith.constant 0 : i32
      %dma_wait3A_160 = tpu.memref_slice %arg3[%add3A_154, %dma_wait3A_159] : memref<4096x9216xf32, #tpu.memory_space<hbm>> -> memref<2x9216xf32, #tpu.memory_space<hbm>>
      %dma_wait3A_161 = arith.constant 0 : i32
      %dma_wait3A_162 = tpu.memref_slice %arg3[%add3A_154, %dma_wait3A_161] : memref<4096x9216xf32, #tpu.memory_space<hbm>> -> memref<2x9216xf32, #tpu.memory_space<hbm>>
      tpu.wait_dma2 semaphore(%arg11 : memref<!tpu.dma_semaphore, #tpu.memory_space<semaphore_mem>>) src(%dma_wait3A_162 : memref<2x9216xf32, #tpu.memory_space<hbm>>) dst(%arg8 : memref<2x9216xf32, #tpu.memory_space<vmem>>)
      %broadcast_in_dim3A_163 = arith.constant 0.000000e+00 : f32
      %broadcast_in_dim3A_164 = vector.broadcast %broadcast_in_dim3A_163 : f32 to vector<16xf32>
      %broadcast_in_dim3A_165 = arith.constant 0.000000e+00 : f32
      %broadcast_in_dim3A_166 = vector.broadcast %broadcast_in_dim3A_165 : f32 to vector<16xf32>
      %broadcast_in_dim3A_167 = arith.constant 0.000000e+00 : f32
      %broadcast_in_dim3A_168 = vector.broadcast %broadcast_in_dim3A_167 : f32 to vector<16xf32>
      %broadcast_in_dim3A_169 = arith.constant 0.000000e+00 : f32
      %broadcast_in_dim3A_170 = vector.broadcast %broadcast_in_dim3A_169 : f32 to vector<16xf32>
      %scan3A_171 = arith.constant 0 : i32
      %scan3A_172 = arith.constant 72 : i32
      %scan3A_173 = arith.addi %scan3A_171, %scan3A_172 : i32
      %scan3A_174 = arith.constant 1 : i32
      %scan3A_175:4 = scf.for %scan3A_265 = %scan3A_171 to %scan3A_173 step %scan3A_174 iter_args(%scan3A_266 = %broadcast_in_dim3A_164, %scan3A_267 = %broadcast_in_dim3A_166, %scan3A_268 = %broadcast_in_dim3A_168, %scan3A_269 = %broadcast_in_dim3A_170) -> (vector<16xf32>, vector<16xf32>, vector<16xf32>, vector<16xf32>)  : i32 {
        %mul3A_270 = arith.constant 8 : i32
        %mul3A_271 = arith.muli %scan3A_265, %mul3A_270 : i32
        %mul3A_272 = arith.constant 16 : i32
        %mul3A_273 = arith.muli %mul3A_271, %mul3A_272 : i32
        %add3A_274 = arith.constant 0 : i32
        %add3A_275 = arith.addi %mul3A_273, %add3A_274 : i32
        %multiple_of3A = tpu.assume_multiple %add3A_275, 16 : i32
        %get3A = arith.constant 0 : i32
        %get3A_276 = arith.index_cast %get3A : i32 to index
        %get3A_277 = arith.index_cast %multiple_of3A : i32 to index
        %get3A_278 = tpu.vector_load %arg7[%get3A_276, %get3A_277] {strides = array<i32>} : memref<2x9216xf32, #tpu.memory_space<vmem>>, vector<16xf32>,
        %get3A_279 = arith.constant 0 : i32
        %get3A_280 = arith.index_cast %get3A_279 : i32 to index
        %get3A_281 = arith.index_cast %multiple_of3A : i32 to index
        %get3A_282 = tpu.vector_load %arg8[%get3A_280, %get3A_281] {strides = array<i32>} : memref<2x9216xf32, #tpu.memory_space<vmem>>, vector<16xf32>,
        %lt3A_283 = arith.constant 3.000000e-01 : f32
        %lt3A_284 = vector.broadcast %lt3A_283 : f32 to vector<16xf32>
        %lt3A_285 = arith.cmpf olt, %get3A_282, %lt3A_284 : vector<16xf32>
        %max3A_286 = arith.constant 0.000000e+00 : f32
        %max3A_287 = vector.broadcast %max3A_286 : f32 to vector<16xf32>
        %max3A_288 = arith.maximumf %get3A_278, %max3A_287 : vector<16xf32>
        %jit3A_289 = arith.constant 0.000000e+00 : f32
        %broadcast_in_dim3A_290 = vector.broadcast %jit3A_289 : f32 to vector<16xf32>
        %select_n3A_291 = arith.select %lt3A_285, %max3A_288, %broadcast_in_dim3A_290 : vector<16xi1>, vector<16xf32>
        %add3A_292 = arith.constant 16 : i32
        %add3A_293 = arith.addi %mul3A_273, %add3A_292 : i32
        %multiple_of3A_294 = tpu.assume_multiple %add3A_293, 16 : i32
        %get3A_295 = arith.constant 0 : i32
        %get3A_296 = arith.index_cast %get3A_295 : i32 to index
        %get3A_297 = arith.index_cast %multiple_of3A_294 : i32 to index
        %get3A_298 = tpu.vector_load %arg7[%get3A_296, %get3A_297] {strides = array<i32>} : memref<2x9216xf32, #tpu.memory_space<vmem>>, vector<16xf32>,
        %get3A_299 = arith.constant 0 : i32
        %get3A_300 = arith.index_cast %get3A_299 : i32 to index
        %get3A_301 = arith.index_cast %multiple_of3A_294 : i32 to index
        %get3A_302 = tpu.vector_load %arg8[%get3A_300, %get3A_301] {strides = array<i32>} : memref<2x9216xf32, #tpu.memory_space<vmem>>, vector<16xf32>,
        %lt3A_303 = arith.constant 3.000000e-01 : f32
        %lt3A_304 = vector.broadcast %lt3A_303 : f32 to vector<16xf32>
        %lt3A_305 = arith.cmpf olt, %get3A_302, %lt3A_304 : vector<16xf32>
        %max3A_306 = arith.constant 0.000000e+00 : f32
        %max3A_307 = vector.broadcast %max3A_306 : f32 to vector<16xf32>
        %max3A_308 = arith.maximumf %get3A_298, %max3A_307 : vector<16xf32>
        %jit3A_309 = arith.constant 0.000000e+00 : f32
        %broadcast_in_dim3A_310 = vector.broadcast %jit3A_309 : f32 to vector<16xf32>
        %select_n3A_311 = arith.select %lt3A_305, %max3A_308, %broadcast_in_dim3A_310 : vector<16xi1>, vector<16xf32>
        %add3A_312 = arith.constant 32 : i32
        %add3A_313 = arith.addi %mul3A_273, %add3A_312 : i32
        %multiple_of3A_314 = tpu.assume_multiple %add3A_313, 16 : i32
        %get3A_315 = arith.constant 0 : i32
        %get3A_316 = arith.index_cast %get3A_315 : i32 to index
        %get3A_317 = arith.index_cast %multiple_of3A_314 : i32 to index
        %get3A_318 = tpu.vector_load %arg7[%get3A_316, %get3A_317] {strides = array<i32>} : memref<2x9216xf32, #tpu.memory_space<vmem>>, vector<16xf32>,
        %get3A_319 = arith.constant 0 : i32
        %get3A_320 = arith.index_cast %get3A_319 : i32 to index
        %get3A_321 = arith.index_cast %multiple_of3A_314 : i32 to index
        %get3A_322 = tpu.vector_load %arg8[%get3A_320, %get3A_321] {strides = array<i32>} : memref<2x9216xf32, #tpu.memory_space<vmem>>, vector<16xf32>,
        %lt3A_323 = arith.constant 3.000000e-01 : f32
        %lt3A_324 = vector.broadcast %lt3A_323 : f32 to vector<16xf32>
        %lt3A_325 = arith.cmpf olt, %get3A_322, %lt3A_324 : vector<16xf32>
        %max3A_326 = arith.constant 0.000000e+00 : f32
        %max3A_327 = vector.broadcast %max3A_326 : f32 to vector<16xf32>
        %max3A_328 = arith.maximumf %get3A_318, %max3A_327 : vector<16xf32>
        %jit3A_329 = arith.constant 0.000000e+00 : f32
        %broadcast_in_dim3A_330 = vector.broadcast %jit3A_329 : f32 to vector<16xf32>
        %select_n3A_331 = arith.select %lt3A_325, %max3A_328, %broadcast_in_dim3A_330 : vector<16xi1>, vector<16xf32>
        %add3A_332 = arith.constant 48 : i32
        %add3A_333 = arith.addi %mul3A_273, %add3A_332 : i32
        %multiple_of3A_334 = tpu.assume_multiple %add3A_333, 16 : i32
        %get3A_335 = arith.constant 0 : i32
        %get3A_336 = arith.index_cast %get3A_335 : i32 to index
        %get3A_337 = arith.index_cast %multiple_of3A_334 : i32 to index
        %get3A_338 = tpu.vector_load %arg7[%get3A_336, %get3A_337] {strides = array<i32>} : memref<2x9216xf32, #tpu.memory_space<vmem>>, vector<16xf32>,
        %get3A_339 = arith.constant 0 : i32
        %get3A_340 = arith.index_cast %get3A_339 : i32 to index
        %get3A_341 = arith.index_cast %multiple_of3A_334 : i32 to index
        %get3A_342 = tpu.vector_load %arg8[%get3A_340, %get3A_341] {strides = array<i32>} : memref<2x9216xf32, #tpu.memory_space<vmem>>, vector<16xf32>,
        %lt3A_343 = arith.constant 3.000000e-01 : f32
        %lt3A_344 = vector.broadcast %lt3A_343 : f32 to vector<16xf32>
        %lt3A_345 = arith.cmpf olt, %get3A_342, %lt3A_344 : vector<16xf32>
        %max3A_346 = arith.constant 0.000000e+00 : f32
        %max3A_347 = vector.broadcast %max3A_346 : f32 to vector<16xf32>
        %max3A_348 = arith.maximumf %get3A_338, %max3A_347 : vector<16xf32>
        %jit3A_349 = arith.constant 0.000000e+00 : f32
        %broadcast_in_dim3A_350 = vector.broadcast %jit3A_349 : f32 to vector<16xf32>
        %select_n3A_351 = arith.select %lt3A_345, %max3A_348, %broadcast_in_dim3A_350 : vector<16xi1>, vector<16xf32>
        %add3A_352 = arith.constant 64 : i32
        %add3A_353 = arith.addi %mul3A_273, %add3A_352 : i32
        %multiple_of3A_354 = tpu.assume_multiple %add3A_353, 16 : i32
        %get3A_355 = arith.constant 0 : i32
        %get3A_356 = arith.index_cast %get3A_355 : i32 to index
        %get3A_357 = arith.index_cast %multiple_of3A_354 : i32 to index
        %get3A_358 = tpu.vector_load %arg7[%get3A_356, %get3A_357] {strides = array<i32>} : memref<2x9216xf32, #tpu.memory_space<vmem>>, vector<16xf32>,
        %get3A_359 = arith.constant 0 : i32
        %get3A_360 = arith.index_cast %get3A_359 : i32 to index
        %get3A_361 = arith.index_cast %multiple_of3A_354 : i32 to index
        %get3A_362 = tpu.vector_load %arg8[%get3A_360, %get3A_361] {strides = array<i32>} : memref<2x9216xf32, #tpu.memory_space<vmem>>, vector<16xf32>,
        %lt3A_363 = arith.constant 3.000000e-01 : f32
        %lt3A_364 = vector.broadcast %lt3A_363 : f32 to vector<16xf32>
        %lt3A_365 = arith.cmpf olt, %get3A_362, %lt3A_364 : vector<16xf32>
        %max3A_366 = arith.constant 0.000000e+00 : f32
        %max3A_367 = vector.broadcast %max3A_366 : f32 to vector<16xf32>
        %max3A_368 = arith.maximumf %get3A_358, %max3A_367 : vector<16xf32>
        %jit3A_369 = arith.constant 0.000000e+00 : f32
        %broadcast_in_dim3A_370 = vector.broadcast %jit3A_369 : f32 to vector<16xf32>
        %select_n3A_371 = arith.select %lt3A_365, %max3A_368, %broadcast_in_dim3A_370 : vector<16xi1>, vector<16xf32>
        %add3A_372 = arith.constant 80 : i32
        %add3A_373 = arith.addi %mul3A_273, %add3A_372 : i32
        %multiple_of3A_374 = tpu.assume_multiple %add3A_373, 16 : i32
        %get3A_375 = arith.constant 0 : i32
        %get3A_376 = arith.index_cast %get3A_375 : i32 to index
        %get3A_377 = arith.index_cast %multiple_of3A_374 : i32 to index
        %get3A_378 = tpu.vector_load %arg7[%get3A_376, %get3A_377] {strides = array<i32>} : memref<2x9216xf32, #tpu.memory_space<vmem>>, vector<16xf32>,
        %get3A_379 = arith.constant 0 : i32
        %get3A_380 = arith.index_cast %get3A_379 : i32 to index
        %get3A_381 = arith.index_cast %multiple_of3A_374 : i32 to index
        %get3A_382 = tpu.vector_load %arg8[%get3A_380, %get3A_381] {strides = array<i32>} : memref<2x9216xf32, #tpu.memory_space<vmem>>, vector<16xf32>,
        %lt3A_383 = arith.constant 3.000000e-01 : f32
        %lt3A_384 = vector.broadcast %lt3A_383 : f32 to vector<16xf32>
        %lt3A_385 = arith.cmpf olt, %get3A_382, %lt3A_384 : vector<16xf32>
        %max3A_386 = arith.constant 0.000000e+00 : f32
        %max3A_387 = vector.broadcast %max3A_386 : f32 to vector<16xf32>
        %max3A_388 = arith.maximumf %get3A_378, %max3A_387 : vector<16xf32>
        %jit3A_389 = arith.constant 0.000000e+00 : f32
        %broadcast_in_dim3A_390 = vector.broadcast %jit3A_389 : f32 to vector<16xf32>
        %select_n3A_391 = arith.select %lt3A_385, %max3A_388, %broadcast_in_dim3A_390 : vector<16xi1>, vector<16xf32>
        %add3A_392 = arith.constant 96 : i32
        %add3A_393 = arith.addi %mul3A_273, %add3A_392 : i32
        %multiple_of3A_394 = tpu.assume_multiple %add3A_393, 16 : i32
        %get3A_395 = arith.constant 0 : i32
        %get3A_396 = arith.index_cast %get3A_395 : i32 to index
        %get3A_397 = arith.index_cast %multiple_of3A_394 : i32 to index
        %get3A_398 = tpu.vector_load %arg7[%get3A_396, %get3A_397] {strides = array<i32>} : memref<2x9216xf32, #tpu.memory_space<vmem>>, vector<16xf32>,
        %get3A_399 = arith.constant 0 : i32
        %get3A_400 = arith.index_cast %get3A_399 : i32 to index
        %get3A_401 = arith.index_cast %multiple_of3A_394 : i32 to index
        %get3A_402 = tpu.vector_load %arg8[%get3A_400, %get3A_401] {strides = array<i32>} : memref<2x9216xf32, #tpu.memory_space<vmem>>, vector<16xf32>,
        %lt3A_403 = arith.constant 3.000000e-01 : f32
        %lt3A_404 = vector.broadcast %lt3A_403 : f32 to vector<16xf32>
        %lt3A_405 = arith.cmpf olt, %get3A_402, %lt3A_404 : vector<16xf32>
        %max3A_406 = arith.constant 0.000000e+00 : f32
        %max3A_407 = vector.broadcast %max3A_406 : f32 to vector<16xf32>
        %max3A_408 = arith.maximumf %get3A_398, %max3A_407 : vector<16xf32>
        %jit3A_409 = arith.constant 0.000000e+00 : f32
        %broadcast_in_dim3A_410 = vector.broadcast %jit3A_409 : f32 to vector<16xf32>
        %select_n3A_411 = arith.select %lt3A_405, %max3A_408, %broadcast_in_dim3A_410 : vector<16xi1>, vector<16xf32>
        %add3A_412 = arith.constant 112 : i32
        %add3A_413 = arith.addi %mul3A_273, %add3A_412 : i32
        %multiple_of3A_414 = tpu.assume_multiple %add3A_413, 16 : i32
        %get3A_415 = arith.constant 0 : i32
        %get3A_416 = arith.index_cast %get3A_415 : i32 to index
        %get3A_417 = arith.index_cast %multiple_of3A_414 : i32 to index
        %get3A_418 = tpu.vector_load %arg7[%get3A_416, %get3A_417] {strides = array<i32>} : memref<2x9216xf32, #tpu.memory_space<vmem>>, vector<16xf32>,
        %get3A_419 = arith.constant 0 : i32
        %get3A_420 = arith.index_cast %get3A_419 : i32 to index
        %get3A_421 = arith.index_cast %multiple_of3A_414 : i32 to index
        %get3A_422 = tpu.vector_load %arg8[%get3A_420, %get3A_421] {strides = array<i32>} : memref<2x9216xf32, #tpu.memory_space<vmem>>, vector<16xf32>,
        %lt3A_423 = arith.constant 3.000000e-01 : f32
        %lt3A_424 = vector.broadcast %lt3A_423 : f32 to vector<16xf32>
        %lt3A_425 = arith.cmpf olt, %get3A_422, %lt3A_424 : vector<16xf32>
        %max3A_426 = arith.constant 0.000000e+00 : f32
        %max3A_427 = vector.broadcast %max3A_426 : f32 to vector<16xf32>
        %max3A_428 = arith.maximumf %get3A_418, %max3A_427 : vector<16xf32>
        %jit3A_429 = arith.constant 0.000000e+00 : f32
        %broadcast_in_dim3A_430 = vector.broadcast %jit3A_429 : f32 to vector<16xf32>
        %select_n3A_431 = arith.select %lt3A_425, %max3A_428, %broadcast_in_dim3A_430 : vector<16xi1>, vector<16xf32>
        %sort3A_432 = arith.constant dense<true> : vector<16xi1>
        %sort3A_433, %sort3A_434, %sort3A_435 = tpu.sort %select_n3A_291, %select_n3A_291 masked %sort3A_432 : (vector<16xf32>, vector<16xf32>, vector<16xi1>) -> (vector<16xi1>, vector<16xf32>, vector<16xf32>)
        %masked_sort3A = arith.constant dense<true> : vector<16xi1>
        %masked_sort3A_436, %masked_sort3A_437, %masked_sort3A_438 = tpu.sort %select_n3A_311, %select_n3A_311 masked %masked_sort3A {descending = true} : (vector<16xf32>, vector<16xf32>, vector<16xi1>) -> (vector<16xi1>, vector<16xf32>, vector<16xf32>)
        %max3A_439 = arith.maximumf %sort3A_434, %masked_sort3A_437 : vector<16xf32>
        %masked_sort3A_440 = arith.constant dense<true> : vector<16xi1>
        %masked_sort3A_441, %masked_sort3A_442, %masked_sort3A_443 = tpu.sort %max3A_439, %max3A_439 masked %masked_sort3A_440 {descending = true} : (vector<16xf32>, vector<16xf32>, vector<16xi1>) -> (vector<16xi1>, vector<16xf32>, vector<16xf32>)
        %max3A_444 = arith.maximumf %scan3A_266, %masked_sort3A_442 : vector<16xf32>
        %sort3A_445 = arith.constant dense<true> : vector<16xi1>
        %sort3A_446, %sort3A_447, %sort3A_448 = tpu.sort %max3A_444, %max3A_444 masked %sort3A_445 : (vector<16xf32>, vector<16xf32>, vector<16xi1>) -> (vector<16xi1>, vector<16xf32>, vector<16xf32>)
        %sort3A_449 = arith.constant dense<true> : vector<16xi1>
        %sort3A_450, %sort3A_451, %sort3A_452 = tpu.sort %select_n3A_331, %select_n3A_331 masked %sort3A_449 : (vector<16xf32>, vector<16xf32>, vector<16xi1>) -> (vector<16xi1>, vector<16xf32>, vector<16xf32>)
        %masked_sort3A_453 = arith.constant dense<true> : vector<16xi1>
        %masked_sort3A_454, %masked_sort3A_455, %masked_sort3A_456 = tpu.sort %select_n3A_351, %select_n3A_351 masked %masked_sort3A_453 {descending = true} : (vector<16xf32>, vector<16xf32>, vector<16xi1>) -> (vector<16xi1>, vector<16xf32>, vector<16xf32>)
        %max3A_457 = arith.maximumf %sort3A_451, %masked_sort3A_455 : vector<16xf32>
        %masked_sort3A_458 = arith.constant dense<true> : vector<16xi1>
        %masked_sort3A_459, %masked_sort3A_460, %masked_sort3A_461 = tpu.sort %max3A_457, %max3A_457 masked %masked_sort3A_458 {descending = true} : (vector<16xf32>, vector<16xf32>, vector<16xi1>) -> (vector<16xi1>, vector<16xf32>, vector<16xf32>)
        %max3A_462 = arith.maximumf %scan3A_267, %masked_sort3A_460 : vector<16xf32>
        %sort3A_463 = arith.constant dense<true> : vector<16xi1>
        %sort3A_464, %sort3A_465, %sort3A_466 = tpu.sort %max3A_462, %max3A_462 masked %sort3A_463 : (vector<16xf32>, vector<16xf32>, vector<16xi1>) -> (vector<16xi1>, vector<16xf32>, vector<16xf32>)
        %sort3A_467 = arith.constant dense<true> : vector<16xi1>
        %sort3A_468, %sort3A_469, %sort3A_470 = tpu.sort %select_n3A_371, %select_n3A_371 masked %sort3A_467 : (vector<16xf32>, vector<16xf32>, vector<16xi1>) -> (vector<16xi1>, vector<16xf32>, vector<16xf32>)
        %masked_sort3A_471 = arith.constant dense<true> : vector<16xi1>
        %masked_sort3A_472, %masked_sort3A_473, %masked_sort3A_474 = tpu.sort %select_n3A_391, %select_n3A_391 masked %masked_sort3A_471 {descending = true} : (vector<16xf32>, vector<16xf32>, vector<16xi1>) -> (vector<16xi1>, vector<16xf32>, vector<16xf32>)
        %max3A_475 = arith.maximumf %sort3A_469, %masked_sort3A_473 : vector<16xf32>
        %masked_sort3A_476 = arith.constant dense<true> : vector<16xi1>
        %masked_sort3A_477, %masked_sort3A_478, %masked_sort3A_479 = tpu.sort %max3A_475, %max3A_475 masked %masked_sort3A_476 {descending = true} : (vector<16xf32>, vector<16xf32>, vector<16xi1>) -> (vector<16xi1>, vector<16xf32>, vector<16xf32>)
        %max3A_480 = arith.maximumf %scan3A_268, %masked_sort3A_478 : vector<16xf32>
        %sort3A_481 = arith.constant dense<true> : vector<16xi1>
        %sort3A_482, %sort3A_483, %sort3A_484 = tpu.sort %max3A_480, %max3A_480 masked %sort3A_481 : (vector<16xf32>, vector<16xf32>, vector<16xi1>) -> (vector<16xi1>, vector<16xf32>, vector<16xf32>)
        %sort3A_485 = arith.constant dense<true> : vector<16xi1>
        %sort3A_486, %sort3A_487, %sort3A_488 = tpu.sort %select_n3A_411, %select_n3A_411 masked %sort3A_485 : (vector<16xf32>, vector<16xf32>, vector<16xi1>) -> (vector<16xi1>, vector<16xf32>, vector<16xf32>)
        %masked_sort3A_489 = arith.constant dense<true> : vector<16xi1>
        %masked_sort3A_490, %masked_sort3A_491, %masked_sort3A_492 = tpu.sort %select_n3A_431, %select_n3A_431 masked %masked_sort3A_489 {descending = true} : (vector<16xf32>, vector<16xf32>, vector<16xi1>) -> (vector<16xi1>, vector<16xf32>, vector<16xf32>)
        %max3A_493 = arith.maximumf %sort3A_487, %masked_sort3A_491 : vector<16xf32>
        %masked_sort3A_494 = arith.constant dense<true> : vector<16xi1>
        %masked_sort3A_495, %masked_sort3A_496, %masked_sort3A_497 = tpu.sort %max3A_493, %max3A_493 masked %masked_sort3A_494 {descending = true} : (vector<16xf32>, vector<16xf32>, vector<16xi1>) -> (vector<16xi1>, vector<16xf32>, vector<16xf32>)
        %max3A_498 = arith.maximumf %scan3A_269, %masked_sort3A_496 : vector<16xf32>
        %sort3A_499 = arith.constant dense<true> : vector<16xi1>
        %sort3A_500, %sort3A_501, %sort3A_502 = tpu.sort %max3A_498, %max3A_498 masked %sort3A_499 : (vector<16xf32>, vector<16xf32>, vector<16xi1>) -> (vector<16xi1>, vector<16xf32>, vector<16xf32>)
        scf.yield %sort3A_447, %sort3A_465, %sort3A_483, %sort3A_501 : vector<16xf32>, vector<16xf32>, vector<16xf32>, vector<16xf32>
      }
      %scan3A_176 = arith.constant 72 : i32
      %rev3A_177 = arith.constant 15 : i32
      %rev3A_178 = vector.broadcast %rev3A_177 : i32 to vector<16xi32>
      %rev3A_179 = tpu.iota {dimensions = array<i32: 0>} : vector<16xi32>
      %rev3A_180 = arith.subi %rev3A_178, %rev3A_179 : vector<16xi32>
      %rev3A_181 = tpu.dynamic_gather %scan3A_175#1[%rev3A_180] in [0] : vector<16xf32>, vector<16xi32> -> vector<16xf32>
      %max3A_182 = arith.maximumf %scan3A_175#0, %rev3A_181 : vector<16xf32>
      %sort3A_183 = arith.constant dense<true> : vector<16xi1>
      %sort3A_184, %sort3A_185, %sort3A_186 = tpu.sort %max3A_182, %max3A_182 masked %sort3A_183 : (vector<16xf32>, vector<16xf32>, vector<16xi1>) -> (vector<16xi1>, vector<16xf32>, vector<16xf32>)
      %rev3A_187 = arith.constant 15 : i32
      %rev3A_188 = vector.broadcast %rev3A_187 : i32 to vector<16xi32>
      %rev3A_189 = tpu.iota {dimensions = array<i32: 0>} : vector<16xi32>
      %rev3A_190 = arith.subi %rev3A_188, %rev3A_189 : vector<16xi32>
      %rev3A_191 = tpu.dynamic_gather %scan3A_175#3[%rev3A_190] in [0] : vector<16xf32>, vector<16xi32> -> vector<16xf32>
      %max3A_192 = arith.maximumf %scan3A_175#2, %rev3A_191 : vector<16xf32>
      %sort3A_193 = arith.constant dense<true> : vector<16xi1>
      %sort3A_194, %sort3A_195, %sort3A_196 = tpu.sort %max3A_192, %max3A_192 masked %sort3A_193 : (vector<16xf32>, vector<16xf32>, vector<16xi1>) -> (vector<16xi1>, vector<16xf32>, vector<16xf32>)
      %rev3A_197 = arith.constant 15 : i32
      %rev3A_198 = vector.broadcast %rev3A_197 : i32 to vector<16xi32>
      %rev3A_199 = tpu.iota {dimensions = array<i32: 0>} : vector<16xi32>
      %rev3A_200 = arith.subi %rev3A_198, %rev3A_199 : vector<16xi32>
      %rev3A_201 = tpu.dynamic_gather %sort3A_195[%rev3A_200] in [0] : vector<16xf32>, vector<16xi32> -> vector<16xf32>
      %max3A_202 = arith.maximumf %sort3A_185, %rev3A_201 : vector<16xf32>
      %sort3A_203 = arith.constant dense<true> : vector<16xi1>
      %sort3A_204, %sort3A_205, %sort3A_206 = tpu.sort %max3A_202, %max3A_202 masked %sort3A_203 : (vector<16xf32>, vector<16xf32>, vector<16xi1>) -> (vector<16xi1>, vector<16xf32>, vector<16xf32>)
      %ge3A_207 = arith.constant 8 : i32
      %ge3A_208 = vector.broadcast %ge3A_207 : i32 to vector<16xi32>
      %ge3A_209 = arith.cmpi sge, %iota3A, %ge3A_208 : vector<16xi32>
      %jit3A_210 = arith.constant 0.000000e+00 : f32
      %broadcast_in_dim3A_211 = vector.broadcast %jit3A_210 : f32 to vector<16xf32>
      %select_n3A_212 = arith.select %ge3A_209, %sort3A_205, %broadcast_in_dim3A_211 : vector<16xi1>, vector<16xf32>
      %add3A_213 = arith.addf %add3A_146, %select_n3A_212 : vector<16xf32>
      %broadcast_in_dim3A_214 = arith.constant 0.000000e+00 : f32
      %broadcast_in_dim3A_215 = vector.broadcast %broadcast_in_dim3A_214 : f32 to vector<16xf32>
      %broadcast_in_dim3A_216 = arith.constant 0.000000e+00 : f32
      %broadcast_in_dim3A_217 = vector.broadcast %broadcast_in_dim3A_216 : f32 to vector<16xf32>
      %broadcast_in_dim3A_218 = arith.constant 0.000000e+00 : f32
      %broadcast_in_dim3A_219 = vector.broadcast %broadcast_in_dim3A_218 : f32 to vector<16xf32>
      %broadcast_in_dim3A_220 = arith.constant 0.000000e+00 : f32
      %broadcast_in_dim3A_221 = vector.broadcast %broadcast_in_dim3A_220 : f32 to vector<16xf32>
      %scan3A_222 = arith.constant 0 : i32
      %scan3A_223 = arith.constant 72 : i32
      %scan3A_224 = arith.addi %scan3A_222, %scan3A_223 : i32
      %scan3A_225 = arith.constant 1 : i32
      %scan3A_226:4 = scf.for %scan3A_265 = %scan3A_222 to %scan3A_224 step %scan3A_225 iter_args(%scan3A_266 = %broadcast_in_dim3A_215, %scan3A_267 = %broadcast_in_dim3A_217, %scan3A_268 = %broadcast_in_dim3A_219, %scan3A_269 = %broadcast_in_dim3A_221) -> (vector<16xf32>, vector<16xf32>, vector<16xf32>, vector<16xf32>)  : i32 {
        %mul3A_270 = arith.constant 8 : i32
        %mul3A_271 = arith.muli %scan3A_265, %mul3A_270 : i32
        %mul3A_272 = arith.constant 16 : i32
        %mul3A_273 = arith.muli %mul3A_271, %mul3A_272 : i32
        %add3A_274 = arith.constant 0 : i32
        %add3A_275 = arith.addi %mul3A_273, %add3A_274 : i32
        %multiple_of3A = tpu.assume_multiple %add3A_275, 16 : i32
        %get3A = arith.constant 1 : i32
        %get3A_276 = arith.index_cast %get3A : i32 to index
        %get3A_277 = arith.index_cast %multiple_of3A : i32 to index
        %get3A_278 = tpu.vector_load %arg7[%get3A_276, %get3A_277] {strides = array<i32>} : memref<2x9216xf32, #tpu.memory_space<vmem>>, vector<16xf32>,
        %get3A_279 = arith.constant 1 : i32
        %get3A_280 = arith.index_cast %get3A_279 : i32 to index
        %get3A_281 = arith.index_cast %multiple_of3A : i32 to index
        %get3A_282 = tpu.vector_load %arg8[%get3A_280, %get3A_281] {strides = array<i32>} : memref<2x9216xf32, #tpu.memory_space<vmem>>, vector<16xf32>,
        %lt3A_283 = arith.constant 3.000000e-01 : f32
        %lt3A_284 = vector.broadcast %lt3A_283 : f32 to vector<16xf32>
        %lt3A_285 = arith.cmpf olt, %get3A_282, %lt3A_284 : vector<16xf32>
        %max3A_286 = arith.constant 0.000000e+00 : f32
        %max3A_287 = vector.broadcast %max3A_286 : f32 to vector<16xf32>
        %max3A_288 = arith.maximumf %get3A_278, %max3A_287 : vector<16xf32>
        %jit3A_289 = arith.constant 0.000000e+00 : f32
        %broadcast_in_dim3A_290 = vector.broadcast %jit3A_289 : f32 to vector<16xf32>
        %select_n3A_291 = arith.select %lt3A_285, %max3A_288, %broadcast_in_dim3A_290 : vector<16xi1>, vector<16xf32>
        %add3A_292 = arith.constant 16 : i32
        %add3A_293 = arith.addi %mul3A_273, %add3A_292 : i32
        %multiple_of3A_294 = tpu.assume_multiple %add3A_293, 16 : i32
        %get3A_295 = arith.constant 1 : i32
        %get3A_296 = arith.index_cast %get3A_295 : i32 to index
        %get3A_297 = arith.index_cast %multiple_of3A_294 : i32 to index
        %get3A_298 = tpu.vector_load %arg7[%get3A_296, %get3A_297] {strides = array<i32>} : memref<2x9216xf32, #tpu.memory_space<vmem>>, vector<16xf32>,
        %get3A_299 = arith.constant 1 : i32
        %get3A_300 = arith.index_cast %get3A_299 : i32 to index
        %get3A_301 = arith.index_cast %multiple_of3A_294 : i32 to index
        %get3A_302 = tpu.vector_load %arg8[%get3A_300, %get3A_301] {strides = array<i32>} : memref<2x9216xf32, #tpu.memory_space<vmem>>, vector<16xf32>,
        %lt3A_303 = arith.constant 3.000000e-01 : f32
        %lt3A_304 = vector.broadcast %lt3A_303 : f32 to vector<16xf32>
        %lt3A_305 = arith.cmpf olt, %get3A_302, %lt3A_304 : vector<16xf32>
        %max3A_306 = arith.constant 0.000000e+00 : f32
        %max3A_307 = vector.broadcast %max3A_306 : f32 to vector<16xf32>
        %max3A_308 = arith.maximumf %get3A_298, %max3A_307 : vector<16xf32>
        %jit3A_309 = arith.constant 0.000000e+00 : f32
        %broadcast_in_dim3A_310 = vector.broadcast %jit3A_309 : f32 to vector<16xf32>
        %select_n3A_311 = arith.select %lt3A_305, %max3A_308, %broadcast_in_dim3A_310 : vector<16xi1>, vector<16xf32>
        %add3A_312 = arith.constant 32 : i32
        %add3A_313 = arith.addi %mul3A_273, %add3A_312 : i32
        %multiple_of3A_314 = tpu.assume_multiple %add3A_313, 16 : i32
        %get3A_315 = arith.constant 1 : i32
        %get3A_316 = arith.index_cast %get3A_315 : i32 to index
        %get3A_317 = arith.index_cast %multiple_of3A_314 : i32 to index
        %get3A_318 = tpu.vector_load %arg7[%get3A_316, %get3A_317] {strides = array<i32>} : memref<2x9216xf32, #tpu.memory_space<vmem>>, vector<16xf32>,
        %get3A_319 = arith.constant 1 : i32
        %get3A_320 = arith.index_cast %get3A_319 : i32 to index
        %get3A_321 = arith.index_cast %multiple_of3A_314 : i32 to index
        %get3A_322 = tpu.vector_load %arg8[%get3A_320, %get3A_321] {strides = array<i32>} : memref<2x9216xf32, #tpu.memory_space<vmem>>, vector<16xf32>,
        %lt3A_323 = arith.constant 3.000000e-01 : f32
        %lt3A_324 = vector.broadcast %lt3A_323 : f32 to vector<16xf32>
        %lt3A_325 = arith.cmpf olt, %get3A_322, %lt3A_324 : vector<16xf32>
        %max3A_326 = arith.constant 0.000000e+00 : f32
        %max3A_327 = vector.broadcast %max3A_326 : f32 to vector<16xf32>
        %max3A_328 = arith.maximumf %get3A_318, %max3A_327 : vector<16xf32>
        %jit3A_329 = arith.constant 0.000000e+00 : f32
        %broadcast_in_dim3A_330 = vector.broadcast %jit3A_329 : f32 to vector<16xf32>
        %select_n3A_331 = arith.select %lt3A_325, %max3A_328, %broadcast_in_dim3A_330 : vector<16xi1>, vector<16xf32>
        %add3A_332 = arith.constant 48 : i32
        %add3A_333 = arith.addi %mul3A_273, %add3A_332 : i32
        %multiple_of3A_334 = tpu.assume_multiple %add3A_333, 16 : i32
        %get3A_335 = arith.constant 1 : i32
        %get3A_336 = arith.index_cast %get3A_335 : i32 to index
        %get3A_337 = arith.index_cast %multiple_of3A_334 : i32 to index
        %get3A_338 = tpu.vector_load %arg7[%get3A_336, %get3A_337] {strides = array<i32>} : memref<2x9216xf32, #tpu.memory_space<vmem>>, vector<16xf32>,
        %get3A_339 = arith.constant 1 : i32
        %get3A_340 = arith.index_cast %get3A_339 : i32 to index
        %get3A_341 = arith.index_cast %multiple_of3A_334 : i32 to index
        %get3A_342 = tpu.vector_load %arg8[%get3A_340, %get3A_341] {strides = array<i32>} : memref<2x9216xf32, #tpu.memory_space<vmem>>, vector<16xf32>,
        %lt3A_343 = arith.constant 3.000000e-01 : f32
        %lt3A_344 = vector.broadcast %lt3A_343 : f32 to vector<16xf32>
        %lt3A_345 = arith.cmpf olt, %get3A_342, %lt3A_344 : vector<16xf32>
        %max3A_346 = arith.constant 0.000000e+00 : f32
        %max3A_347 = vector.broadcast %max3A_346 : f32 to vector<16xf32>
        %max3A_348 = arith.maximumf %get3A_338, %max3A_347 : vector<16xf32>
        %jit3A_349 = arith.constant 0.000000e+00 : f32
        %broadcast_in_dim3A_350 = vector.broadcast %jit3A_349 : f32 to vector<16xf32>
        %select_n3A_351 = arith.select %lt3A_345, %max3A_348, %broadcast_in_dim3A_350 : vector<16xi1>, vector<16xf32>
        %add3A_352 = arith.constant 64 : i32
        %add3A_353 = arith.addi %mul3A_273, %add3A_352 : i32
        %multiple_of3A_354 = tpu.assume_multiple %add3A_353, 16 : i32
        %get3A_355 = arith.constant 1 : i32
        %get3A_356 = arith.index_cast %get3A_355 : i32 to index
        %get3A_357 = arith.index_cast %multiple_of3A_354 : i32 to index
        %get3A_358 = tpu.vector_load %arg7[%get3A_356, %get3A_357] {strides = array<i32>} : memref<2x9216xf32, #tpu.memory_space<vmem>>, vector<16xf32>,
        %get3A_359 = arith.constant 1 : i32
        %get3A_360 = arith.index_cast %get3A_359 : i32 to index
        %get3A_361 = arith.index_cast %multiple_of3A_354 : i32 to index
        %get3A_362 = tpu.vector_load %arg8[%get3A_360, %get3A_361] {strides = array<i32>} : memref<2x9216xf32, #tpu.memory_space<vmem>>, vector<16xf32>,
        %lt3A_363 = arith.constant 3.000000e-01 : f32
        %lt3A_364 = vector.broadcast %lt3A_363 : f32 to vector<16xf32>
        %lt3A_365 = arith.cmpf olt, %get3A_362, %lt3A_364 : vector<16xf32>
        %max3A_366 = arith.constant 0.000000e+00 : f32
        %max3A_367 = vector.broadcast %max3A_366 : f32 to vector<16xf32>
        %max3A_368 = arith.maximumf %get3A_358, %max3A_367 : vector<16xf32>
        %jit3A_369 = arith.constant 0.000000e+00 : f32
        %broadcast_in_dim3A_370 = vector.broadcast %jit3A_369 : f32 to vector<16xf32>
        %select_n3A_371 = arith.select %lt3A_365, %max3A_368, %broadcast_in_dim3A_370 : vector<16xi1>, vector<16xf32>
        %add3A_372 = arith.constant 80 : i32
        %add3A_373 = arith.addi %mul3A_273, %add3A_372 : i32
        %multiple_of3A_374 = tpu.assume_multiple %add3A_373, 16 : i32
        %get3A_375 = arith.constant 1 : i32
        %get3A_376 = arith.index_cast %get3A_375 : i32 to index
        %get3A_377 = arith.index_cast %multiple_of3A_374 : i32 to index
        %get3A_378 = tpu.vector_load %arg7[%get3A_376, %get3A_377] {strides = array<i32>} : memref<2x9216xf32, #tpu.memory_space<vmem>>, vector<16xf32>,
        %get3A_379 = arith.constant 1 : i32
        %get3A_380 = arith.index_cast %get3A_379 : i32 to index
        %get3A_381 = arith.index_cast %multiple_of3A_374 : i32 to index
        %get3A_382 = tpu.vector_load %arg8[%get3A_380, %get3A_381] {strides = array<i32>} : memref<2x9216xf32, #tpu.memory_space<vmem>>, vector<16xf32>,
        %lt3A_383 = arith.constant 3.000000e-01 : f32
        %lt3A_384 = vector.broadcast %lt3A_383 : f32 to vector<16xf32>
        %lt3A_385 = arith.cmpf olt, %get3A_382, %lt3A_384 : vector<16xf32>
        %max3A_386 = arith.constant 0.000000e+00 : f32
        %max3A_387 = vector.broadcast %max3A_386 : f32 to vector<16xf32>
        %max3A_388 = arith.maximumf %get3A_378, %max3A_387 : vector<16xf32>
        %jit3A_389 = arith.constant 0.000000e+00 : f32
        %broadcast_in_dim3A_390 = vector.broadcast %jit3A_389 : f32 to vector<16xf32>
        %select_n3A_391 = arith.select %lt3A_385, %max3A_388, %broadcast_in_dim3A_390 : vector<16xi1>, vector<16xf32>
        %add3A_392 = arith.constant 96 : i32
        %add3A_393 = arith.addi %mul3A_273, %add3A_392 : i32
        %multiple_of3A_394 = tpu.assume_multiple %add3A_393, 16 : i32
        %get3A_395 = arith.constant 1 : i32
        %get3A_396 = arith.index_cast %get3A_395 : i32 to index
        %get3A_397 = arith.index_cast %multiple_of3A_394 : i32 to index
        %get3A_398 = tpu.vector_load %arg7[%get3A_396, %get3A_397] {strides = array<i32>} : memref<2x9216xf32, #tpu.memory_space<vmem>>, vector<16xf32>,
        %get3A_399 = arith.constant 1 : i32
        %get3A_400 = arith.index_cast %get3A_399 : i32 to index
        %get3A_401 = arith.index_cast %multiple_of3A_394 : i32 to index
        %get3A_402 = tpu.vector_load %arg8[%get3A_400, %get3A_401] {strides = array<i32>} : memref<2x9216xf32, #tpu.memory_space<vmem>>, vector<16xf32>,
        %lt3A_403 = arith.constant 3.000000e-01 : f32
        %lt3A_404 = vector.broadcast %lt3A_403 : f32 to vector<16xf32>
        %lt3A_405 = arith.cmpf olt, %get3A_402, %lt3A_404 : vector<16xf32>
        %max3A_406 = arith.constant 0.000000e+00 : f32
        %max3A_407 = vector.broadcast %max3A_406 : f32 to vector<16xf32>
        %max3A_408 = arith.maximumf %get3A_398, %max3A_407 : vector<16xf32>
        %jit3A_409 = arith.constant 0.000000e+00 : f32
        %broadcast_in_dim3A_410 = vector.broadcast %jit3A_409 : f32 to vector<16xf32>
        %select_n3A_411 = arith.select %lt3A_405, %max3A_408, %broadcast_in_dim3A_410 : vector<16xi1>, vector<16xf32>
        %add3A_412 = arith.constant 112 : i32
        %add3A_413 = arith.addi %mul3A_273, %add3A_412 : i32
        %multiple_of3A_414 = tpu.assume_multiple %add3A_413, 16 : i32
        %get3A_415 = arith.constant 1 : i32
        %get3A_416 = arith.index_cast %get3A_415 : i32 to index
        %get3A_417 = arith.index_cast %multiple_of3A_414 : i32 to index
        %get3A_418 = tpu.vector_load %arg7[%get3A_416, %get3A_417] {strides = array<i32>} : memref<2x9216xf32, #tpu.memory_space<vmem>>, vector<16xf32>,
        %get3A_419 = arith.constant 1 : i32
        %get3A_420 = arith.index_cast %get3A_419 : i32 to index
        %get3A_421 = arith.index_cast %multiple_of3A_414 : i32 to index
        %get3A_422 = tpu.vector_load %arg8[%get3A_420, %get3A_421] {strides = array<i32>} : memref<2x9216xf32, #tpu.memory_space<vmem>>, vector<16xf32>,
        %lt3A_423 = arith.constant 3.000000e-01 : f32
        %lt3A_424 = vector.broadcast %lt3A_423 : f32 to vector<16xf32>
        %lt3A_425 = arith.cmpf olt, %get3A_422, %lt3A_424 : vector<16xf32>
        %max3A_426 = arith.constant 0.000000e+00 : f32
        %max3A_427 = vector.broadcast %max3A_426 : f32 to vector<16xf32>
        %max3A_428 = arith.maximumf %get3A_418, %max3A_427 : vector<16xf32>
        %jit3A_429 = arith.constant 0.000000e+00 : f32
        %broadcast_in_dim3A_430 = vector.broadcast %jit3A_429 : f32 to vector<16xf32>
        %select_n3A_431 = arith.select %lt3A_425, %max3A_428, %broadcast_in_dim3A_430 : vector<16xi1>, vector<16xf32>
        %sort3A_432 = arith.constant dense<true> : vector<16xi1>
        %sort3A_433, %sort3A_434, %sort3A_435 = tpu.sort %select_n3A_291, %select_n3A_291 masked %sort3A_432 : (vector<16xf32>, vector<16xf32>, vector<16xi1>) -> (vector<16xi1>, vector<16xf32>, vector<16xf32>)
        %masked_sort3A = arith.constant dense<true> : vector<16xi1>
        %masked_sort3A_436, %masked_sort3A_437, %masked_sort3A_438 = tpu.sort %select_n3A_311, %select_n3A_311 masked %masked_sort3A {descending = true} : (vector<16xf32>, vector<16xf32>, vector<16xi1>) -> (vector<16xi1>, vector<16xf32>, vector<16xf32>)
        %max3A_439 = arith.maximumf %sort3A_434, %masked_sort3A_437 : vector<16xf32>
        %masked_sort3A_440 = arith.constant dense<true> : vector<16xi1>
        %masked_sort3A_441, %masked_sort3A_442, %masked_sort3A_443 = tpu.sort %max3A_439, %max3A_439 masked %masked_sort3A_440 {descending = true} : (vector<16xf32>, vector<16xf32>, vector<16xi1>) -> (vector<16xi1>, vector<16xf32>, vector<16xf32>)
        %max3A_444 = arith.maximumf %scan3A_266, %masked_sort3A_442 : vector<16xf32>
        %sort3A_445 = arith.constant dense<true> : vector<16xi1>
        %sort3A_446, %sort3A_447, %sort3A_448 = tpu.sort %max3A_444, %max3A_444 masked %sort3A_445 : (vector<16xf32>, vector<16xf32>, vector<16xi1>) -> (vector<16xi1>, vector<16xf32>, vector<16xf32>)
        %sort3A_449 = arith.constant dense<true> : vector<16xi1>
        %sort3A_450, %sort3A_451, %sort3A_452 = tpu.sort %select_n3A_331, %select_n3A_331 masked %sort3A_449 : (vector<16xf32>, vector<16xf32>, vector<16xi1>) -> (vector<16xi1>, vector<16xf32>, vector<16xf32>)
        %masked_sort3A_453 = arith.constant dense<true> : vector<16xi1>
        %masked_sort3A_454, %masked_sort3A_455, %masked_sort3A_456 = tpu.sort %select_n3A_351, %select_n3A_351 masked %masked_sort3A_453 {descending = true} : (vector<16xf32>, vector<16xf32>, vector<16xi1>) -> (vector<16xi1>, vector<16xf32>, vector<16xf32>)
        %max3A_457 = arith.maximumf %sort3A_451, %masked_sort3A_455 : vector<16xf32>
        %masked_sort3A_458 = arith.constant dense<true> : vector<16xi1>
        %masked_sort3A_459, %masked_sort3A_460, %masked_sort3A_461 = tpu.sort %max3A_457, %max3A_457 masked %masked_sort3A_458 {descending = true} : (vector<16xf32>, vector<16xf32>, vector<16xi1>) -> (vector<16xi1>, vector<16xf32>, vector<16xf32>)
        %max3A_462 = arith.maximumf %scan3A_267, %masked_sort3A_460 : vector<16xf32>
        %sort3A_463 = arith.constant dense<true> : vector<16xi1>
        %sort3A_464, %sort3A_465, %sort3A_466 = tpu.sort %max3A_462, %max3A_462 masked %sort3A_463 : (vector<16xf32>, vector<16xf32>, vector<16xi1>) -> (vector<16xi1>, vector<16xf32>, vector<16xf32>)
        %sort3A_467 = arith.constant dense<true> : vector<16xi1>
        %sort3A_468, %sort3A_469, %sort3A_470 = tpu.sort %select_n3A_371, %select_n3A_371 masked %sort3A_467 : (vector<16xf32>, vector<16xf32>, vector<16xi1>) -> (vector<16xi1>, vector<16xf32>, vector<16xf32>)
        %masked_sort3A_471 = arith.constant dense<true> : vector<16xi1>
        %masked_sort3A_472, %masked_sort3A_473, %masked_sort3A_474 = tpu.sort %select_n3A_391, %select_n3A_391 masked %masked_sort3A_471 {descending = true} : (vector<16xf32>, vector<16xf32>, vector<16xi1>) -> (vector<16xi1>, vector<16xf32>, vector<16xf32>)
        %max3A_475 = arith.maximumf %sort3A_469, %masked_sort3A_473 : vector<16xf32>
        %masked_sort3A_476 = arith.constant dense<true> : vector<16xi1>
        %masked_sort3A_477, %masked_sort3A_478, %masked_sort3A_479 = tpu.sort %max3A_475, %max3A_475 masked %masked_sort3A_476 {descending = true} : (vector<16xf32>, vector<16xf32>, vector<16xi1>) -> (vector<16xi1>, vector<16xf32>, vector<16xf32>)
        %max3A_480 = arith.maximumf %scan3A_268, %masked_sort3A_478 : vector<16xf32>
        %sort3A_481 = arith.constant dense<true> : vector<16xi1>
        %sort3A_482, %sort3A_483, %sort3A_484 = tpu.sort %max3A_480, %max3A_480 masked %sort3A_481 : (vector<16xf32>, vector<16xf32>, vector<16xi1>) -> (vector<16xi1>, vector<16xf32>, vector<16xf32>)
        %sort3A_485 = arith.constant dense<true> : vector<16xi1>
        %sort3A_486, %sort3A_487, %sort3A_488 = tpu.sort %select_n3A_411, %select_n3A_411 masked %sort3A_485 : (vector<16xf32>, vector<16xf32>, vector<16xi1>) -> (vector<16xi1>, vector<16xf32>, vector<16xf32>)
        %masked_sort3A_489 = arith.constant dense<true> : vector<16xi1>
        %masked_sort3A_490, %masked_sort3A_491, %masked_sort3A_492 = tpu.sort %select_n3A_431, %select_n3A_431 masked %masked_sort3A_489 {descending = true} : (vector<16xf32>, vector<16xf32>, vector<16xi1>) -> (vector<16xi1>, vector<16xf32>, vector<16xf32>)
        %max3A_493 = arith.maximumf %sort3A_487, %masked_sort3A_491 : vector<16xf32>
        %masked_sort3A_494 = arith.constant dense<true> : vector<16xi1>
        %masked_sort3A_495, %masked_sort3A_496, %masked_sort3A_497 = tpu.sort %max3A_493, %max3A_493 masked %masked_sort3A_494 {descending = true} : (vector<16xf32>, vector<16xf32>, vector<16xi1>) -> (vector<16xi1>, vector<16xf32>, vector<16xf32>)
        %max3A_498 = arith.maximumf %scan3A_269, %masked_sort3A_496 : vector<16xf32>
        %sort3A_499 = arith.constant dense<true> : vector<16xi1>
        %sort3A_500, %sort3A_501, %sort3A_502 = tpu.sort %max3A_498, %max3A_498 masked %sort3A_499 : (vector<16xf32>, vector<16xf32>, vector<16xi1>) -> (vector<16xi1>, vector<16xf32>, vector<16xf32>)
        scf.yield %sort3A_447, %sort3A_465, %sort3A_483, %sort3A_501 : vector<16xf32>, vector<16xf32>, vector<16xf32>, vector<16xf32>
      }
      %scan3A_227 = arith.constant 72 : i32
      %rev3A_228 = arith.constant 15 : i32
      %rev3A_229 = vector.broadcast %rev3A_228 : i32 to vector<16xi32>
      %rev3A_230 = tpu.iota {dimensions = array<i32: 0>} : vector<16xi32>
      %rev3A_231 = arith.subi %rev3A_229, %rev3A_230 : vector<16xi32>
      %rev3A_232 = tpu.dynamic_gather %scan3A_226#1[%rev3A_231] in [0] : vector<16xf32>, vector<16xi32> -> vector<16xf32>
      %max3A_233 = arith.maximumf %scan3A_226#0, %rev3A_232 : vector<16xf32>
      %sort3A_234 = arith.constant dense<true> : vector<16xi1>
      %sort3A_235, %sort3A_236, %sort3A_237 = tpu.sort %max3A_233, %max3A_233 masked %sort3A_234 : (vector<16xf32>, vector<16xf32>, vector<16xi1>) -> (vector<16xi1>, vector<16xf32>, vector<16xf32>)
      %rev3A_238 = arith.constant 15 : i32
      %rev3A_239 = vector.broadcast %rev3A_238 : i32 to vector<16xi32>
      %rev3A_240 = tpu.iota {dimensions = array<i32: 0>} : vector<16xi32>
      %rev3A_241 = arith.subi %rev3A_239, %rev3A_240 : vector<16xi32>
      %rev3A_242 = tpu.dynamic_gather %scan3A_226#3[%rev3A_241] in [0] : vector<16xf32>, vector<16xi32> -> vector<16xf32>
      %max3A_243 = arith.maximumf %scan3A_226#2, %rev3A_242 : vector<16xf32>
      %sort3A_244 = arith.constant dense<true> : vector<16xi1>
      %sort3A_245, %sort3A_246, %sort3A_247 = tpu.sort %max3A_243, %max3A_243 masked %sort3A_244 : (vector<16xf32>, vector<16xf32>, vector<16xi1>) -> (vector<16xi1>, vector<16xf32>, vector<16xf32>)
      %rev3A_248 = arith.constant 15 : i32
      %rev3A_249 = vector.broadcast %rev3A_248 : i32 to vector<16xi32>
      %rev3A_250 = tpu.iota {dimensions = array<i32: 0>} : vector<16xi32>
      %rev3A_251 = arith.subi %rev3A_249, %rev3A_250 : vector<16xi32>
      %rev3A_252 = tpu.dynamic_gather %sort3A_246[%rev3A_251] in [0] : vector<16xf32>, vector<16xi32> -> vector<16xf32>
      %max3A_253 = arith.maximumf %sort3A_236, %rev3A_252 : vector<16xf32>
      %sort3A_254 = arith.constant dense<true> : vector<16xi1>
      %sort3A_255, %sort3A_256, %sort3A_257 = tpu.sort %max3A_253, %max3A_253 masked %sort3A_254 : (vector<16xf32>, vector<16xf32>, vector<16xi1>) -> (vector<16xi1>, vector<16xf32>, vector<16xf32>)
      %ge3A_258 = arith.constant 8 : i32
      %ge3A_259 = vector.broadcast %ge3A_258 : i32 to vector<16xi32>
      %ge3A_260 = arith.cmpi sge, %iota3A, %ge3A_259 : vector<16xi32>
      %jit3A_261 = arith.constant 0.000000e+00 : f32
      %broadcast_in_dim3A_262 = vector.broadcast %jit3A_261 : f32 to vector<16xf32>
      %select_n3A_263 = arith.select %ge3A_260, %sort3A_256, %broadcast_in_dim3A_262 : vector<16xi1>, vector<16xf32>
      %add3A_264 = arith.addf %add3A_213, %select_n3A_263 : vector<16xf32>
      scf.yield %add3A_264 : vector<16xf32>
    }
    %scan3A_15 = arith.constant 32 : i32
    %broadcast_in_dim3A_16 = arith.constant 0.000000e+00 : f32
    %broadcast_in_dim3A_17 = vector.broadcast %broadcast_in_dim3A_16 : f32 to vector<16xf32>
    %reduce_sum3A = arith.constant true
    %reduce_sum3A_18 = vector.broadcast %reduce_sum3A : i1 to vector<16xi1>
    %reduce_sum3A_19 = tpu.scan <sum>, %scan3A_14 masked %reduce_sum3A_18 : vector<16xf32>, vector<16xi1> -> vector<16xf32>
    %reduce_sum3A_20 = vector.extract %reduce_sum3A_19[15] : f32 from vector<16xf32>
    %add3A_21 = vector.broadcast %reduce_sum3A_20 : f32 to vector<16xf32>
    %add3A_22 = arith.addf %broadcast_in_dim3A_17, %add3A_21 : vector<16xf32>
    %eq3A = arith.constant 0 : i32
    %eq3A_23 = vector.broadcast %eq3A : i32 to vector<16xi32>
    %eq3A_24 = arith.cmpi eq, %iota3A, %eq3A_23 : vector<16xi32>
    %jit3A = arith.constant 0.000000e+00 : f32
    %broadcast_in_dim3A_25 = vector.broadcast %jit3A : f32 to vector<16xf32>
    %select_n3A = arith.select %eq3A_24, %add3A_22, %broadcast_in_dim3A_25 : vector<16xi1>, vector<16xf32>
    %swap3A = arith.constant 0 : index
    %swap3A_26 = tpu.vector_load %arg9[%swap3A] {strides = array<i32>} : memref<16xf32, #tpu.memory_space<vmem>>, vector<16xf32>,
    tpu.vector_store %arg9[%swap3A], %select_n3A {strides = array<i32>} : memref<16xf32, #tpu.memory_space<vmem>>, vector<16xf32>,
    "tpu.region"() ({
      %run_scoped3A = tpu.sem_alloc : memref<!tpu.dma_semaphore, #tpu.memory_space<semaphore_mem>>
      %dma_start3A_27 = arith.constant 0 : i32
      %dma_start3A_28 = tpu.memref_slice %arg4[%add3A, %dma_start3A_27] : memref<32x16xf32, #tpu.memory_space<hbm>> -> memref<1x16xf32, #tpu.memory_space<hbm>>
      %dma_start3A_29 = tpu.memref_squeeze %dma_start3A_28 : memref<1x16xf32, #tpu.memory_space<hbm>> -> memref<16xf32, #tpu.memory_space<hbm>>
      %dma_start3A_30 = arith.constant 0 : i32
      %dma_start3A_31 = tpu.memref_slice %arg4[%add3A, %dma_start3A_30] : memref<32x16xf32, #tpu.memory_space<hbm>> -> memref<1x16xf32, #tpu.memory_space<hbm>>
      %dma_start3A_32 = tpu.memref_squeeze %dma_start3A_31 : memref<1x16xf32, #tpu.memory_space<hbm>> -> memref<16xf32, #tpu.memory_space<hbm>>
      tpu.enqueue_dma source(%arg9 : memref<16xf32, #tpu.memory_space<vmem>>) target(%dma_start3A_32 : memref<16xf32, #tpu.memory_space<hbm>>) target_semaphore(%run_scoped3A : memref<!tpu.dma_semaphore, #tpu.memory_space<semaphore_mem>>)
      %dma_wait3A = arith.constant 0 : i32
      %dma_wait3A_33 = tpu.memref_slice %arg4[%add3A, %dma_wait3A] : memref<32x16xf32, #tpu.memory_space<hbm>> -> memref<1x16xf32, #tpu.memory_space<hbm>>
      %dma_wait3A_34 = tpu.memref_squeeze %dma_wait3A_33 : memref<1x16xf32, #tpu.memory_space<hbm>> -> memref<16xf32, #tpu.memory_space<hbm>>
      %dma_wait3A_35 = arith.constant 0 : i32
      %dma_wait3A_36 = tpu.memref_slice %arg4[%add3A, %dma_wait3A_35] : memref<32x16xf32, #tpu.memory_space<hbm>> -> memref<1x16xf32, #tpu.memory_space<hbm>>
      %dma_wait3A_37 = tpu.memref_squeeze %dma_wait3A_36 : memref<1x16xf32, #tpu.memory_space<hbm>> -> memref<16xf32, #tpu.memory_space<hbm>>
      tpu.wait_dma2 semaphore(%run_scoped3A : memref<!tpu.dma_semaphore, #tpu.memory_space<semaphore_mem>>) src(%arg9 : memref<16xf32, #tpu.memory_space<vmem>>) dst(%dma_wait3A_37 : memref<16xf32, #tpu.memory_space<hbm>>)
      tpu.yield
    }) : () -> ()
    return
  }
}

module attributes {stable_mosaic.version = 14 : i64} {
  func.func @_tc_body(%arg0: i32, %arg1: memref<128x9216xf32, #tpu.memory_space<vmem>>, %arg2: memref<128x9216xf32, #tpu.memory_space<vmem>>, %arg3: memref<1x128xf32, #tpu.memory_space<vmem>>) attributes {dimension_semantics = [#tpu.dimension_semantics<arbitrary>], iteration_bounds = array<i64: 32>, scalar_prefetch = 0 : i64, scratch_operands = 0 : i64, tpu.core_type = #tpu.core_type<tc>, window_params = [{transform_indices = @transform_0, window_bounds = array<i64: 128, 9216>}, {transform_indices = @transform_1, window_bounds = array<i64: 128, 9216>}, {pipeline_mode = #tpu.pipeline_mode<synchronous>, transform_indices = @transform_2, window_bounds = array<i64: 1, 128>}]} {
    %get3A = arith.constant 0 : index
    %get3A_0 = arith.constant 0 : index
    %get3A_1 = vector.load %arg1[%get3A, %get3A_0] : memref<128x9216xf32, #tpu.memory_space<vmem>>, vector<128x9216xf32>
    %get3A_2 = arith.constant 0 : index
    %get3A_3 = arith.constant 0 : index
    %get3A_4 = vector.load %arg2[%get3A_2, %get3A_3] : memref<128x9216xf32, #tpu.memory_space<vmem>>, vector<128x9216xf32>
    %reduce_max3A = arith.constant dense<0xFF800000> : vector<128xf32>
    %reduce_max3A_5 = vector.multi_reduction <maximumf>, %get3A_4, %reduce_max3A [1] : vector<128x9216xf32> to vector<128xf32>
    %broadcast_in_dim3A = vector.shape_cast %reduce_max3A_5 : vector<128xf32> to vector<128x1xf32>
    %iota3A = tpu.iota {dimensions = array<i32: 1>} : vector<128x9216xi32>
    %eq3A = vector.broadcast %broadcast_in_dim3A : vector<128x1xf32> to vector<128x9216xf32>
    %eq3A_6 = arith.cmpf oeq, %get3A_4, %eq3A : vector<128x9216xf32>
    %jit3A = arith.constant 2147483647 : i32
    %broadcast_in_dim3A_7 = vector.broadcast %jit3A : i32 to vector<128x9216xi32>
    %select_n3A = arith.select %eq3A_6, %iota3A, %broadcast_in_dim3A_7 : vector<128x9216xi1>, vector<128x9216xi32>
    %reduce_min3A = arith.constant dense<2147483647> : vector<128xi32>
    %reduce_min3A_8 = vector.multi_reduction <minsi>, %select_n3A, %reduce_min3A [1] : vector<128x9216xi32> to vector<128xi32>
    %broadcast_in_dim3A_9 = vector.shape_cast %reduce_min3A_8 : vector<128xi32> to vector<128x1xi32>
    %eq3A_10 = vector.broadcast %broadcast_in_dim3A_9 : vector<128x1xi32> to vector<128x9216xi32>
    %eq3A_11 = arith.cmpi eq, %iota3A, %eq3A_10 : vector<128x9216xi32>
    %jit3A_12 = arith.constant 0.000000e+00 : f32
    %broadcast_in_dim3A_13 = vector.broadcast %jit3A_12 : f32 to vector<128x9216xf32>
    %select_n3A_14 = arith.select %eq3A_11, %get3A_1, %broadcast_in_dim3A_13 : vector<128x9216xi1>, vector<128x9216xf32>
    %reduce_sum3A = arith.constant dense<0.000000e+00> : vector<128xf32>
    %reduce_sum3A_15 = vector.multi_reduction <add>, %select_n3A_14, %reduce_sum3A [1] : vector<128x9216xf32> to vector<128xf32>
    %broadcast_in_dim3A_16 = vector.shape_cast %reduce_sum3A_15 : vector<128xf32> to vector<128x1xf32>
    %gt3A = arith.constant 3.000000e-01 : f32
    %gt3A_17 = vector.broadcast %gt3A : f32 to vector<128x1xf32>
    %gt3A_18 = arith.cmpf ogt, %broadcast_in_dim3A, %gt3A_17 : vector<128x1xf32>
    %min3A = arith.constant 1.000000e+00 : f32
    %min3A_19 = vector.broadcast %min3A : f32 to vector<128x1xf32>
    %min3A_20 = arith.minimumf %broadcast_in_dim3A_16, %min3A_19 : vector<128x1xf32>
    %jit3A_21 = arith.constant 0.000000e+00 : f32
    %broadcast_in_dim3A_22 = vector.broadcast %jit3A_21 : f32 to vector<128x1xf32>
    %select_n3A_23 = arith.select %gt3A_18, %min3A_20, %broadcast_in_dim3A_22 : vector<128x1xi1>, vector<128x1xf32>
    %reduce_sum3A_24 = vector.shape_cast %select_n3A_23 : vector<128x1xf32> to vector<1x128x1xf32>
    %reduce_sum3A_25 = arith.constant dense<0.000000e+00> : vector<1xf32>
    %reduce_sum3A_26 = vector.multi_reduction <add>, %reduce_sum3A_24, %reduce_sum3A_25 [1, 2] : vector<1x128x1xf32> to vector<1xf32>
    %reduce_sum3A_27 = vector.shape_cast %reduce_sum3A_26 : vector<1xf32> to vector<1x1x1xf32>
    %reduce_sum3A_28 = vector.extract %reduce_sum3A_27[0, 0, 0] : f32 from vector<1x1x1xf32>
    %jit3A_29 = arith.constant 1.000000e+00 : f32
    %jit3A_30 = arith.constant 0.000000e+00 : f32
    %broadcast_in_dim3A_31 = vector.broadcast %jit3A_29 : f32 to vector<128x1xf32>
    %broadcast_in_dim3A_32 = vector.broadcast %jit3A_30 : f32 to vector<128x1xf32>
    %select_n3A_33 = arith.select %gt3A_18, %broadcast_in_dim3A_31, %broadcast_in_dim3A_32 : vector<128x1xi1>, vector<128x1xf32>
    %reduce_sum3A_34 = vector.shape_cast %select_n3A_33 : vector<128x1xf32> to vector<1x128x1xf32>
    %reduce_sum3A_35 = arith.constant dense<0.000000e+00> : vector<1xf32>
    %reduce_sum3A_36 = vector.multi_reduction <add>, %reduce_sum3A_34, %reduce_sum3A_35 [1, 2] : vector<1x128x1xf32> to vector<1xf32>
    %reduce_sum3A_37 = vector.shape_cast %reduce_sum3A_36 : vector<1xf32> to vector<1x1x1xf32>
    %reduce_sum3A_38 = vector.extract %reduce_sum3A_37[0, 0, 0] : f32 from vector<1x1x1xf32>
    %sub3A = arith.subf %get3A_1, %get3A_4 : vector<128x9216xf32>
    %mul3A = arith.mulf %sub3A, %sub3A : vector<128x9216xf32>
    %gt3A_39 = arith.constant 1.000000e+00 : f32
    %gt3A_40 = vector.broadcast %gt3A_39 : f32 to vector<128x9216xf32>
    %gt3A_41 = arith.cmpf ogt, %mul3A, %gt3A_40 : vector<128x9216xf32>
    %lt3A = arith.constant 3.000000e-01 : f32
    %lt3A_42 = vector.broadcast %lt3A : f32 to vector<128x9216xf32>
    %lt3A_43 = arith.cmpf olt, %get3A_4, %lt3A_42 : vector<128x9216xf32>
    %and3A = arith.andi %gt3A_41, %lt3A_43 : vector<128x9216xi1>
    %jit3A_44 = arith.constant 0.000000e+00 : f32
    %broadcast_in_dim3A_45 = vector.broadcast %jit3A_44 : f32 to vector<128x9216xf32>
    %select_n3A_46 = arith.select %and3A, %mul3A, %broadcast_in_dim3A_45 : vector<128x9216xi1>, vector<128x9216xf32>
    %reduce_sum3A_47 = vector.shape_cast %select_n3A_46 : vector<128x9216xf32> to vector<1x128x9216xf32>
    %reduce_sum3A_48 = arith.constant dense<0.000000e+00> : vector<1xf32>
    %reduce_sum3A_49 = vector.multi_reduction <add>, %reduce_sum3A_47, %reduce_sum3A_48 [1, 2] : vector<1x128x9216xf32> to vector<1xf32>
    %reduce_sum3A_50 = vector.shape_cast %reduce_sum3A_49 : vector<1xf32> to vector<1x1x1xf32>
    %reduce_sum3A_51 = vector.extract %reduce_sum3A_50[0, 0, 0] : f32 from vector<1x1x1xf32>
    %iota3A_52 = tpu.iota {dimensions = array<i32: 1>} : vector<1x128xi32>
    %eq3A_53 = arith.constant 0 : i32
    %eq3A_54 = vector.broadcast %eq3A_53 : i32 to vector<1x128xi32>
    %eq3A_55 = arith.cmpi eq, %iota3A_52, %eq3A_54 : vector<1x128xi32>
    %eq3A_56 = arith.constant 1 : i32
    %eq3A_57 = vector.broadcast %eq3A_56 : i32 to vector<1x128xi32>
    %eq3A_58 = arith.cmpi eq, %iota3A_52, %eq3A_57 : vector<1x128xi32>
    %eq3A_59 = arith.constant 2 : i32
    %eq3A_60 = vector.broadcast %eq3A_59 : i32 to vector<1x128xi32>
    %eq3A_61 = arith.cmpi eq, %iota3A_52, %eq3A_60 : vector<1x128xi32>
    %jit3A_62 = arith.constant 0.000000e+00 : f32
    %broadcast_in_dim3A_63 = vector.broadcast %reduce_sum3A_51 : f32 to vector<1x128xf32>
    %broadcast_in_dim3A_64 = vector.broadcast %jit3A_62 : f32 to vector<1x128xf32>
    %select_n3A_65 = arith.select %eq3A_61, %broadcast_in_dim3A_63, %broadcast_in_dim3A_64 : vector<1x128xi1>, vector<1x128xf32>
    %broadcast_in_dim3A_66 = vector.broadcast %reduce_sum3A_38 : f32 to vector<1x128xf32>
    %select_n3A_67 = arith.select %eq3A_58, %broadcast_in_dim3A_66, %select_n3A_65 : vector<1x128xi1>, vector<1x128xf32>
    %broadcast_in_dim3A_68 = vector.broadcast %reduce_sum3A_28 : f32 to vector<1x128xf32>
    %select_n3A_69 = arith.select %eq3A_55, %broadcast_in_dim3A_68, %select_n3A_67 : vector<1x128xi1>, vector<1x128xf32>
    %eq3A_70 = arith.constant 0 : i32
    %eq3A_71 = arith.cmpi eq, %arg0, %eq3A_70 : i32
    %convert_element_type3A = arith.extui %eq3A_71 : i1 to i32
    %cond3A = arith.constant 0 : i32
    %cond3A_72 = arith.cmpi ne, %convert_element_type3A, %cond3A : i32
    scf.if %cond3A_72 {
      %broadcast_in_dim3A_78 = arith.constant 0.000000e+00 : f32
      %broadcast_in_dim3A_79 = vector.broadcast %broadcast_in_dim3A_78 : f32 to vector<1x128xf32>
      %swap3A_80 = arith.constant 0 : index
      %swap3A_81 = arith.constant 0 : index
      %swap3A_82 = vector.load %arg3[%swap3A_80, %swap3A_81] : memref<1x128xf32, #tpu.memory_space<vmem>>, vector<1x128xf32>
      tpu.vector_store %arg3[%swap3A_80, %swap3A_81], %broadcast_in_dim3A_79 {strides = array<i32>} : memref<1x128xf32, #tpu.memory_space<vmem>>, vector<1x128xf32>,
    } else {
    }
    %get3A_73 = arith.constant 0 : index
    %get3A_74 = arith.constant 0 : index
    %get3A_75 = vector.load %arg3[%get3A_73, %get3A_74] : memref<1x128xf32, #tpu.memory_space<vmem>>, vector<1x128xf32>
    %add3A = arith.addf %get3A_75, %select_n3A_69 : vector<1x128xf32>
    %swap3A = arith.constant 0 : index
    %swap3A_76 = arith.constant 0 : index
    %swap3A_77 = vector.load %arg3[%swap3A, %swap3A_76] : memref<1x128xf32, #tpu.memory_space<vmem>>, vector<1x128xf32>
    tpu.vector_store %arg3[%swap3A, %swap3A_76], %add3A {strides = array<i32>} : memref<1x128xf32, #tpu.memory_space<vmem>>, vector<1x128xf32>,
    return
  }
  func.func @transform_0(%arg0: i32) -> (i32, i32) {
    %c0_i32 = arith.constant 0 : i32
    %c0_i32_0 = arith.constant 0 : i32
    return %arg0, %c0_i32 : i32, i32
  }
  func.func @transform_1(%arg0: i32) -> (i32, i32) {
    %c0_i32 = arith.constant 0 : i32
    %c0_i32_0 = arith.constant 0 : i32
    return %arg0, %c0_i32 : i32, i32
  }
  func.func @transform_2(%arg0: i32) -> (i32, i32) {
    %c0_i32 = arith.constant 0 : i32
    %c0_i32_0 = arith.constant 0 : i32
    %c0_i32_1 = arith.constant 0 : i32
    return %c0_i32, %c0_i32_0 : i32, i32
  }
}

</mosaic_0001>

<sc_bundles>
// kernel: _run.4.cloned.1.call-start
scs
__scs_entry_jumppad:
0x0: {  	(pc) =	sbr.rel $0x88, $3  }
0x1: {  	(tag) =	ssettag $0x0;
	lr =	simm.s32 $0x1  }
0x2: {  	[smem:$0x3F9F] =	sst lr;
	_ =	strace $0xD0000000  }
0x3: {  	_ = 	snop  }
0x4: {  	_ = 	snop  }
0x5: {  	_ = 	snop  }
0x6: {  	_ = 	snop  }
0x7: {  	_ = 	snop  }
__scs_overlays_trampoline_lowered:
0x8: {  	[smem:$0x3FAE] =	sst s0  }
0x9: {  	[smem:$0x3FAF] =	sst s1  }
0xa: {  	[smem:$0x3FB0] =	sst s2  }
0xb: {  	[smem:$0x3FB1] =	sst s3  }
0xc: {  	[smem:$0x3FB2] =	sst s4  }
0xd: {  	[smem:$0x3FB3] =	sst s5  }
0xe: {  	[smem:$0x3FB4] =	sst s6  }
0xf: {  	[smem:$0x3FB5] =	sst s7  }
0x10: {  	[smem:$0x3FB6] =	sst s8  }
0x11: {  	[smem:$0x3FB7] =	sst s9;
	s0 =	simm.s32 @!p0 $0x0  }
0x12: {  	s1 =	sld [smem:$0x3F9D];
	s0 =	simm.s32 @p0 $0x1  }
0x13: {  	[smem:$0x3FB8] =	sst s0;
	s0 =	simm.s32 @!p1 $0x0  }
0x14: {  	s2 =	sld [smem:$0x3F9C];
	s0 =	simm.s32 @p1 $0x1  }
0x15: {  	[smem:$0x3FB9] =	sst s0;
	s0 =	simm.s32 @!p2 $0x0  }
0x16: {  	s3 =	sld [smem:$0x3FDB];
	s0 =	simm.s32 @p2 $0x1  }
0x17: {  	s4 =	simm.s32 $0x1BF5;
	[smem:$0x3FBB] =	sst s0  }
0x18: {  	s0 =	sld [smem:$0x3F9E];
	_ =	swait.ge [sflag:s4], $0x0  }
0x19: {  	s7 =	sld [smem:$0x3F9F]  }
0x1a: {  	s8 =	sadd.s32 $0xFFFFE003, lr  }
0x1b: {  	s9 =	sadd.s32 $0xFFFFFEF7, lr;
	s5 =	simm.s32 $0xFFFFFFFF;
	p2 =	slt.u32 s8, $0xFFFFF086  }
0x1c: {  	p1 =	slt.u32 s9, $0xF7A;
	s5 =	simm.s32 @!p2 $0x0  }
0x1d: {  	s5 =	simm.s32 @p1 $0x1;
	p0 =	seq.s32 s7, s2  }
0x1e: {  	s7 =	smul.u32 @!p0 $0xF7A, s2;
	p2 =	seq.s32 @!p0 s5, $0x0  }
0x1f: {  	s9 =	smul.u32 $0xF7A, s1;
	s8 =	simm.s32 @!p0 $0x1BF5;
	p2 =	por !p2, p0  }
0x20: {  	[sflag:s8] =	ssyncset.s32 @!p0 $0xFFFFF086;
	s6 =	sadd.s32 @!p0 s3, s7;
	s7 =	simm.s32 @!p0 $0x108  }
0x21: {  	s3 =	sadd.s32 s3, s9;
	s6 =	sadd.s32 @!p0 $0x88, s6;
	s7 =	simm.s32 @p2 $0x1082  }
0x22: {  	[simem:s7], [sflag:s8] =	dma.local @!p0 [hbm:s6], $0xF7A  }
0x23: {  	s9 =	sor.u32 $0xD0000000, s2;
	s6 =	simm.s32 $0x108;
	_ =	swait.ge @!p0 [sflag:s8], $0x0  }
0x24: {  	s3 =	sadd.s32 $0x88, s3;
	s6 =	simm.s32 @!p1 $0x1082;
	[sflag:s4] =	ssyncset.s32 $0xFFFFF086  }
0x25: {  	[simem:s6], [sflag:s4] =	dma.local [hbm:s3], $0xF7A  }
0x26: {  	[smem:$0x3F9F] =	sst s1;
	(tag) =	ssettag s2;
	_ =	strace s9  }
0x27: {  	s1 =	sld [smem:$0x3FAF]  }
0x28: {  	s2 =	sld [smem:$0x3FB0]  }
0x29: {  	s4 =	sld [smem:$0x3FB2]  }
0x2a: {  	p0 =	seq.s32 s5, $0x0;
	s5 =	sld [smem:$0x3FB3]  }
0x2b: {  	s6 =	sld [smem:$0x3FB4]  }
0x2c: {  	s7 =	sld [smem:$0x3FB5]  }
0x2d: {  	s3 =	simm.s32 $0x108;
	s8 =	sld [smem:$0x3FB6]  }
0x2e: {  	s3 =	simm.s32 @!p0 $0x1082;
	s9 =	sld [smem:$0x3FB7]  }
0x2f: {  	lr =	sadd.s32 s0, s3;
	s0 =	sld [smem:$0x3FAE]  }
0x30: {  	s3 =	sld [smem:$0x3FB1]  }
0x31: {  	[smem:$0x3FBA] =	sst s10  }
0x32: {  	s10 =	sld [smem:$0x3FB8];
	_ =	sdelay $0x3  }
0x33: {  	p0 =	seq.s32 s10, $0x1;
	s10 =	sld [smem:$0x3FBA];
	_ =	sdelay $0x3  }
0x34: {  	[smem:$0x3FBA] =	sst s10  }
0x35: {  	s10 =	sld [smem:$0x3FB9];
	_ =	sdelay $0x3  }
0x36: {  	p1 =	seq.s32 s10, $0x1;
	s10 =	sld [smem:$0x3FBA];
	_ =	sdelay $0x3  }
0x37: {  	[smem:$0x3FBA] =	sst s10  }
0x38: {  	s10 =	sld [smem:$0x3FBB]  }
0x39: {  	_ = 	snop;
	(pc) =	sbr.ind lr, $3  }
0x3a: {  	_ = 	snop  }
0x3b: {  	_ = 	snop  }
0x3c: {  	p2 =	seq.s32 s10, $0x1;
	s10 =	sld [smem:$0x3FBA]  }
0x3d: {  	_ =	shalt  }
0x3e: {  	_ =	shalt  }
0x3f: {  	_ =	shalt  }
0x40: {  	_ =	shalt  }
0x41: {  	_ =	shalt  }
0x42: {  	_ =	shalt  }
0x43: {  	_ =	shalt  }
0x44: {  	_ =	shalt  }
0x45: {  	_ =	shalt  }
0x46: {  	_ =	shalt  }
0x47: {  	_ =	shalt  }
0x48: {  	_ =	shalt  }
0x49: {  	_ =	shalt  }
0x4a: {  	_ =	shalt  }
0x4b: {  	_ =	shalt  }
0x4c: {  	_ =	shalt  }
0x4d: {  	_ =	shalt  }
0x4e: {  	_ =	shalt  }
0x4f: {  	_ =	shalt  }
0x50: {  	_ =	shalt  }
0x51: {  	_ =	shalt  }
0x52: {  	_ =	shalt  }
0x53: {  	_ =	shalt  }
0x54: {  	_ =	shalt  }
0x55: {  	_ =	shalt  }
0x56: {  	_ =	shalt  }
0x57: {  	_ =	shalt  }
0x58: {  	_ =	shalt  }
0x59: {  	_ =	shalt  }
0x5a: {  	_ =	shalt  }
0x5b: {  	_ =	shalt  }
0x5c: {  	_ =	shalt  }
0x5d: {  	_ =	shalt  }
0x5e: {  	_ =	shalt  }
0x5f: {  	_ =	shalt  }
0x60: {  	_ =	shalt  }
0x61: {  	_ =	shalt  }
0x62: {  	_ =	shalt  }
0x63: {  	_ =	shalt  }
0x64: {  	_ =	shalt  }
0x65: {  	_ =	shalt  }
0x66: {  	_ =	shalt  }
0x67: {  	_ =	shalt  }
0x68: {  	_ =	shalt  }
0x69: {  	_ =	shalt  }
0x6a: {  	_ =	shalt  }
0x6b: {  	_ =	shalt  }
0x6c: {  	_ =	shalt  }
0x6d: {  	_ =	shalt  }
0x6e: {  	_ =	shalt  }
0x6f: {  	_ =	shalt  }
0x70: {  	_ =	shalt  }
0x71: {  	_ =	shalt  }
0x72: {  	_ =	shalt  }
0x73: {  	_ =	shalt  }
0x74: {  	_ =	shalt  }
0x75: {  	_ =	shalt  }
0x76: {  	_ =	shalt  }
0x77: {  	_ =	shalt  }
0x78: {  	_ =	shalt  }
0x79: {  	_ =	shalt  }
0x7a: {  	_ =	shalt  }
0x7b: {  	_ =	shalt  }
0x7c: {  	_ =	shalt  }
0x7d: {  	_ =	shalt  }
0x7e: {  	_ =	shalt  }
0x7f: {  	_ =	shalt  }
0x80: {  	_ =	shalt  }
0x81: {  	_ =	shalt  }
0x82: {  	_ =	shalt  }
0x83: {  	_ =	shalt  }
0x84: {  	_ =	shalt  }
0x85: {  	_ =	shalt  }
0x86: {  	_ =	shalt  }
0x87: {  	_ =	shalt  }
.Lfunc_end0:
.L_simem_size_0:
called_computation_lowered:
.L_overlay_start_0:
0x88: {  	s2 =	sld [smem:$0x3FD9]  }
0x89: {  	s3 =	sld [smem:$0x3FFE];
	_ =	sdelay $0x1  }
0x8a: {  	s1 =	srdreg.scid  }
0x8b: {  	s0 =	sand.u32 $0x1, s1  }
0x8c: {  	s17 =	sshll.u32 s0, $0xA;
	s2 =	sadd.s32 s3, s2  }
0x8d: {  	s2 =	sadd.s32 s2, s17  }
0x8e: {  	[smem:$0x3FC6] =	sst s2  }
0x8f: {  	_ = 	snop  }
0x90: {  	s2 =	sld [smem:$0x3FC9]  }
0x91: {  	s18 =	sld [smem:$0x3FC8];
	(tm) =	ssettm $0x1  }
0x92: {  	s4 =	sld [smem:$0x3FFB];
	_ =	sdelay $0x3  }
0x93: {  	_ =	strace s4  }
0x94: {  	s4 =	sld [smem:$0x3FFC];
	_ =	sdelay $0x3  }
0x95: {  	_ =	strace s4  }
0x96: {  	s4 =	sld [smem:$0x3FFD];
	_ =	sdelay $0x3  }
0x97: {  	_ =	strace s4  }
0x98: {  	_ =	strace $0x8FFFFFFF  }
0x99: {  	s19 =	sld [smem:$0x3FDB];
	_ =	sdelay $0x1  }
0x9a: {  	s5 =	simm.s32 $_scs_section_size  }
0x9b: {  	s6 =	simm.s32 $_size__tile_overlayer_lowered;
	s7 =	simm.s32 $_tile_overlayer_lowered  }
0x9c: {  	s22 =	simm.s32 $0x1BFF;
	s21 =	sshll.u32 s7, $0x1;
	s4 =	sadd.s32 s5, s19  }
0x9d: {  	s8 =	simm.s32 $0x0;
	s20 =	sshll.u32 s6, $0x1;
	s6 =	sadd.s32 s21, s4  }
0x9e: {  	[timem:s8], [sflag:s22] =	dma.local [hbm:s6], s20  }
0x9f: {  	_ =	swait.ge [sflag:s22], s20  }
0xa0: {  	s5 =	ssub.s32 $0x0, s20;
	[sflag:s22] =	ssyncset.done $0x0  }
0xa1: {  	[sflag:s22] =	ssyncadd.s32 s5;
	_ =	sdelay $0x1  }
0xa2: {  	s23 =	simm.s32 $0x1B8B  }
0xa3: {  	_ =	swait.ge [sflag:s23], $0x1  }
0xa4: {  	[sflag:s23] =	ssyncset.done $0x0  }
0xa5: {  	s25 =	simm.s32 $0x1B8E;
	s24 =	sld [smem:$0x3FFE];
	[sflag:s23] =	ssyncadd.s32 $0xFFFFFFFF  }
0xa6: {  	s26 =	simm.s32 $execute0_lowered;
	[smem:$0x3FD2] =	sst s25  }
0xa7: {  	s6 =	sshll.u32 s26, $0x1;
	_ =	strace $0x80000046;
	[dreg:$0x1] =	wrdreg $0xFFFFFFFF  }
0xa8: {  	s28 =	simm.s32 $_size_execute0_lowered;
	s4 =	sadd.s32 s4, s6;
	[dreg:$0x0] =	wrdreg $0x0  }
0xa9: {  	s6 =	sshll.u32 s28, $0x1;
	[dreg:$0x2] =	wrdreg s4  }
0xaa: {  	[dreg:$0x3] =	wrdreg s6  }
0xab: {  	[dreg:$0x4] =	wrdreg $0xC0  }
0xac: {  	_ =	task [dreg:s8], $0x5FFFF  }
0xad: {  	[dreg:$0x1] =	wrdreg $0xFFFFFFFF  }
0xae: {  	[dreg:$0x0] =	wrdreg $0x60  }
0xaf: {  	[dreg:$0x2] =	wrdreg s2  }
0xb0: {  	[dreg:$0x3] =	wrdreg s18  }
0xb1: {  	[dreg:$0x4] =	wrdreg s24  }
0xb2: {  	[dreg:$0x5] =	wrdreg $0x9  }
0xb3: {  	_ =	task.clear_ibuf [dreg:s8], $0x6FFFF;
	_ =	strace $0x90000046  }
0xb4: {  	s29 =	simm.s32 $0x9;
	_ =	strace $0x80000048  }
0xb5: {  	_ =	swait.ge [sflag:s29], $0x1  }
0xb6: {  	[sflag:s29] =	ssyncadd.s32 $0xFFFFFFFF  }
0xb7: {  	_ =	strace $0x90000048  }
0xb8: {  	_ =	sfence  }
0xb9: {  	s30 =	sld [smem:$0x0];
	_ =	sdelay $0x2  }
0xba: {  	s31 =	sshll.u32 s1, $0xD;
	s1 =	sshrl.u32 s1, $0x2  }
0xbb: {  	s3 =	sand.u32 $0x4000, s31;
	s1 =	sadd.s32 s1, s30  }
0xbc: {  	s0 =	sor.u32 s3, s0;
	s1 =	sshll.u32 s1, $0x11  }
0xbd: {  	s0 =	sor.u32 s1, s0  }
0xbe: {  	s0 =	sadd.s32 $0x8F2B, s0  }
0xbf: {  	[sflag:s0] =	ssyncadd.remote.s32 $0x1  }
0xc0: {  	_ =	sfence.sel $0xFFFF  }
0xc1: {  	[dreg:$0x0] =	wrdreg $0xFFFFFFFF;
	(pc) =	sbr.abs _section_cstart, $3  }
0xc2: {  	[dreg:$0x1] =	wrdreg $0xFFFFFFFF  }
0xc3: {  	_ =	task.clear_ibuf [dreg:s8], $0x2FFFF;
	_ =	strace $0x9FFFFFFF  }
0xc4: {  	(tm) =	ssettm $0x7FFFFFFF  }
0xc5: {  	_ =	shalt  }
tec
execute0_lowered:
.L_overlay_start_1:
0x0: {  	(tag) =	ssettag $0x1  }
0x1: {  	s1 =	rddreg [dreg:$0x0]  }
0x2: {  	s3 =	rddreg [dreg:$0x1]  }
0x3: {  	s5 =	rddreg [dreg:$0x2]  }
0x4: {  	s0 =	rddreg [dreg:$0x3]  }
0x5: {  	s6 =	srdreg.scid;
	s2 =	stileid.u32  }
0x6: {  	s4 =	simm.s32 $0x0;
	s11 =	simm.s32 $0x400;
	s12 =	simm.s32 $0x4800  }
0x7: {  	s13 =	simm.s32 $0x9000;
	s14 =	simm.s32 $0xD800;
	s15 =	simm.s32 $0x1  }
0x8: {  	s16 =	simm.s32 $0x2;
	s17 =	simm.s32 $0x12000;
	s18 =	simm.s32 $0x3  }
0x9: {  	s19 =	simm.s32 $0x0;
	s6 =	sand.u32 $0x1, s6;
	s7 =	sshll.u32 s2, $0x1  }
0xa: {  	[smem:$0x7FF] =	sst s4;
	s7 =	sor.u32 s6, s7;
	s6 =	ssub.s32 $0x2, s6  }
0xb: {  	v0 =	vlaneseq.u32;
	s8 =	sshll.u32 s7, $0x4;
	s9 =	sshrl.u32 s6, $0x1;
	s10 =	smul.u32 $0x24000, s7  }
0xc: {  	v0 =	vmul.u32 $0xFFFFFFFF, v0;
	_ =	strace $0x80000047;
	s8 =	sadd.s32 s8, s5;
	s9 =	ssub.s32 s6, s9  }
0xd: {  	s5 =	sshll.u32 s7, $0x7;
	s6 =	sadd.s32 s1, s10;
	s7 =	sadd.s32 s3, s10  }
0xe: {  	v0 =	vadd.s32 $0xF, v0;
	s8 =	sadd.s32 $0x200, s8;
	s9 =	smax.u32 s9, $0x1;
	s10 =	simm.s32 $0x100  }
.LBB2_1:
0xf: {  	[tilespmem:s4], [sflag:$0x1] =	stream.strided.gather [hbm4b:s6+s10], $0x4800, s11, s10, $0x38;
	[tilespmem:$0x12080] =	vst v63  }
0x10: {  	s20 =	simm.s32 $0x0  }
0x11: {  	v1 =	vimm.f32 $0.0e+00;
	v2 =	vimm.f32 $0.0e+00;
	[tilespmem:s12], [sflag:$0x1] =	stream.strided.gather [hbm4b:s7+s10], $0x4800, s11, s10, $0x38;
	[tilespmem:$0x12080] =	vst v63  }
.LBB2_2:
0x12: {  	s21 =	sshll.u32 s20, $0x2  }
0x13: {  	s21 =	sadd.s32 s5, s21  }
0x14: {  	s22 =	sshrl.u32 s21, $0x3  }
0x15: {  	s23 =	sshll.u32 s20, $0x9;
	s22 =	smul.u32 $0x12000, s22  }
0x16: {  	s23 =	sand.u32 $0x200, s23  }
0x17: {  	s22 =	sor.u32 s22, s23  }
0x18: {  	s22 =	sor.u32 $0x100, s22  }
0x19: {  	s22 =	sshrl.u32 s22, $0x3  }
0x1a: {  	s29 =	sadd.s32 s1, s22  }
0x1b: {  	[tilespmem:s13], [sflag:$0x2] =	stream.strided.gather [hbm4b:s29+s10], $0x4800, s11, s10, $0x38;
	[tilespmem:$0x12080] =	vst v63  }
0x1c: {  	s22 =	sadd.s32 s3, s22  }
0x1d: {  	[tilespmem:s14], [sflag:$0x2] =	stream.strided.gather [hbm4b:s22+s10], $0x4800, s11, s10, $0x38;
	[tilespmem:$0x12080] =	vst v63  }
0x1e: {  	_ =	swait.ge [sflag:s15], $0x4800  }
0x1f: {  	[sflag:s15] =	ssyncset.done $0x0  }
0x20: {  	[sflag:s15] =	ssyncadd.s32 $0xFFFFB800  }
0x21: {  	_ =	swait.ge [sflag:s15], $0x4800  }
0x22: {  	[sflag:s15] =	ssyncset.done $0x0  }
0x23: {  	s30 =	simm.s32 $0x0;
	[sflag:s15] =	ssyncadd.s32 $0xFFFFB800  }
0x24: {  	v3 =	vld [tilespmem:s30+$0x50]  }
0x25: {  	v4 =	vld [tilespmem:s30+$0x4860]  }
0x26: {  	v5 =	vld [tilespmem:s30+$0x40]  }
0x27: {  	v6 =	vld [tilespmem:s30+$0x4830]  }
0x28: {  	v7 =	vld [tilespmem:s30+$0x4870]  }
0x29: {  	v8 =	vld [tilespmem:s30+$0x4850]  }
0x2a: {  	v9 =	vld [tilespmem:s30+$0x30]  }
0x2b: {  	v10 =	vld [tilespmem:s30+$0x4820]  }
0x2c: {  	v11 =	vld [tilespmem:s30+$0x20]  }
0x2d: {  	v12 =	vld [tilespmem:s30+$0x4800]  }
0x2e: {  	v13 =	vld [tilespmem:s30+$0x0]  }
0x2f: {  	v14 =	vld [tilespmem:s30+$0x4840]  }
0x30: {  	v15 =	vld [tilespmem:s30+$0x10]  }
0x31: {  	v16 =	vld [tilespmem:s30+$0x60]  }
0x32: {  	v17 =	vld [tilespmem:s30+$0x70];
	v9 =	vmax.f32 v9, $0.0e+00;
	vm0 =	vlt.f32 v6, $3.000000120e-01  }
0x33: {  	s24 =	simm.s32 $0x100;
	v6 =	vld [tilespmem:s30+$0x4810];
	v3 =	vmax.f32 v3, $0.0e+00;
	vm1 =	vlt.f32 v10, $3.000000120e-01;
	v10 =	vmax.f32 v11, $0.0e+00  }
0x34: {  	v11 =	vmax.f32 v13, $0.0e+00;
	v13 =	vld [tilespmem:s24+$0x0];
	v9 =	vnsel vm0, $0x0, v9;
	vm0 =	vlt.f32 v8, $3.000000120e-01  }
0x35: {  	v8 =	vld [tilespmem:s24+$0x50];
	v3 =	vnsel vm0, $0x0, v3;
	(xrf1) =	vsort.dscd.msk.f32 $0xffff, v9, v9  }
0x36: {  	v10 =	vnsel vm1, $0x0, v10;
	v9 =	vld [tilespmem:s24+$0x4860];
	vm0 =	vlt.f32 v12, $3.000000120e-01;
	(xrf1) =	vsort.dscd.msk.f32 $0xffff, v3, v3  }
0x37: {  	v5 =	vmax.f32 v5, $0.0e+00;
	v3 =	vld [tilespmem:s24+$0x40];
	v11 =	vnsel vm0, $0x0, v11;
	vm0 =	vlt.f32 v14, $3.000000120e-01;
	(xrf1) =	vsort.ascd.msk.f32 $0xffff, v10, v10  }
0x38: {  	vm1 =	vlt.f32 v4, $3.000000120e-01;
	v14 =	vld [tilespmem:s24+$0x4840];
	v4 =	vnsel vm0, $0x0, v5;
	v5 =	vmax.f32 v16, $0.0e+00;
	(xrf1) =	vsort.ascd.msk.f32 $0xffff, v11, v11  }
0x39: {  	v10 =	vld [tilespmem:s24+$0x4830];
	vm0 =	vlt.f32 v7, $3.000000120e-01;
	v7 =	vmax.f32 v17, $0.0e+00;
	v5 =	vnsel vm1, $0x0, v5;
	(xrf1) =	vsort.ascd.msk.f32 $0xffff, v4, v4  }
0x3a: {  	v12 =	vmax.f32 v15, $0.0e+00;
	vm1 =	vlt.f32 v6, $3.000000120e-01;
	v6 =	vnsel vm0, $0x0, v7;
	v4 =	vld [tilespmem:s24+$0x4850];
	(xrf1) =	vsort.ascd.msk.f32 $0xffff, v5, v5  }
0x3b: {  	v7 =	vnsel vm1, $0x0, v12;
	v5 =	vld [tilespmem:s24+$0x30];
	(xrf1) =	vsort.dscd.msk.f32 $0xffff, v6, v6  }
0x3c: {  	v12 =	vld [tilespmem:s24+$0x4800];
	(xrf1) =	vsort.dscd.msk.f32 $0xffff, v7, v7  }
0x3d: {  	v6 =	vld [tilespmem:s24+$0x4820]  }
0x3e: {  	v7 =	vld [tilespmem:s24+$0x20]  }
0x3f: {  	v16 =	vld [tilespmem:s24+$0x60]  }
0x40: {  	vm0 =	vlt.f32 v10, $3.000000120e-01;
	v10 =	vld [tilespmem:s24+$0x70];
	v5 =	vmax.f32 v5, $0.0e+00  }
0x41: {  	v11 =	vld [tilespmem:s24+$0x4870];
	v13 =	vmax.f32 v13, $0.0e+00;
	v5 =	vnsel vm0, $0x0, v5  }
0x42: {  	vm0 =	vlt.f32 v4, $3.000000120e-01;
	v4 =	vmax.f32 v8, $0.0e+00;
	v8 =	vld [tilespmem:s24+$0x4810];
	vm1 =	vlt.f32 v6, $3.000000120e-01  }
0x43: {  	s31 =	simm.s32 $0x200;
	v15 =	vld [tilespmem:s24+$0x10];
	v6 =	vmax.f32 v7, $0.0e+00;
	v4 =	vnsel vm0, $0x0, v4;
	vm0 =	vlt.f32 v12, $3.000000120e-01;
	v17, _, _ =	vpop (xrf1)  }
0x44: {  	v13 =	vnsel vm0, $0x0, v13;
	vm0 =	vlt.f32 v14, $3.000000120e-01;
	v14 =	vmax.f32 v16, $0.0e+00;
	v16 =	vld [tilespmem:s31+$0x4870];
	v7, _, _ =	vpop (xrf1);
	(xrf1) =	vsort.dscd.msk.f32 $0xffff, v5, v5  }
0x45: {  	v3 =	vmax.f32 v3, $0.0e+00;
	v10 =	vmax.f32 v10, $0.0e+00;
	v6 =	vnsel vm1, $0x0, v6;
	v5 =	vld [tilespmem:s31+$0x50];
	v18, _, _ =	vpop (xrf1);
	(xrf1) =	vsort.dscd.msk.f32 $0xffff, v4, v4  }
0x46: {  	vm1 =	vlt.f32 v9, $3.000000120e-01;
	v3 =	vnsel vm0, $0x0, v3;
	vm0 =	vlt.f32 v11, $3.000000120e-01;
	v4 =	vld [tilespmem:s31+$0x4860];
	v12, _, _ =	vpop (xrf1);
	(xrf1) =	vsort.ascd.msk.f32 $0xffff, v6, v6  }
0x47: {  	v14 =	vnsel vm1, $0x0, v14;
	vm1 =	vlt.f32 v8, $3.000000120e-01;
	v8 =	vnsel vm0, $0x0, v10;
	v10 =	vld [tilespmem:s31+$0x4850];
	v9, _, _ =	vpop (xrf1);
	(xrf1) =	vsort.ascd.msk.f32 $0xffff, v13, v13  }
0x48: {  	v6 =	vld [tilespmem:s31+$0x40];
	v11, _, _ =	vpop (xrf1);
	(xrf1) =	vsort.ascd.msk.f32 $0xffff, v3, v3  }
0x49: {  	v13 =	vld [tilespmem:s31+$0x4830];
	v3 =	vmax.f32 v15, $0.0e+00;
	v15, _, _ =	vpop (xrf1);
	(xrf1) =	vsort.ascd.msk.f32 $0xffff, v14, v14  }
0x4a: {  	v7 =	vmax.f32 v9, v7;
	v9 =	vld [tilespmem:s31+$0x20];
	v3 =	vnsel vm1, $0x0, v3;
	v14, _, _ =	vpop (xrf1);
	(xrf1) =	vsort.dscd.msk.f32 $0xffff, v8, v8  }
0x4b: {  	v8 =	vld [tilespmem:s31+$0x30];
	v12 =	vmax.f32 v12, v14;
	(xrf1) =	vsort.dscd.msk.f32 $0xffff, v3, v3  }
0x4c: {  	v3 =	vld [tilespmem:s31+$0x4820];
	(xrf1) =	vsort.dscd.msk.f32 $0xffff, v12, v12  }
0x4d: {  	v11 =	vmax.f32 v11, v15;
	(xrf1) =	vsort.dscd.msk.f32 $0xffff, v7, v7;
	v7 =	vld [tilespmem:s31+$0x4800]  }
0x4e: {  	(xrf1) =	vsort.dscd.msk.f32 $0xffff, v11, v11;
	v11 =	vld [tilespmem:s31+$0x0]  }
0x4f: {  	v14 =	vmax.f32 v18, v17;
	v12 =	vld [tilespmem:s31+$0x4840]  }
0x50: {  	vm0 =	vlt.f32 v13, $3.000000120e-01;
	v13 =	vld [tilespmem:s31+$0x60];
	v8 =	vmax.f32 v8, $0.0e+00  }
0x51: {  	v5 =	vmax.f32 v5, $0.0e+00;
	v15 =	vld [tilespmem:s31+$0x10];
	(xrf1) =	vsort.dscd.msk.f32 $0xffff, v14, v14;
	v8 =	vnsel vm0, $0x0, v8;
	vm0 =	vlt.f32 v10, $3.000000120e-01  }
0x52: {  	v10 =	vld [tilespmem:s31+$0x70];
	vm1 =	vlt.f32 v3, $3.000000120e-01;
	v3 =	vmax.f32 v9, $0.0e+00;
	v5 =	vnsel vm0, $0x0, v5;
	v14, _, _ =	vpop (xrf1)  }
0x53: {  	s22 =	simm.s32 $0x300;
	v17 =	vld [tilespmem:s31+$0x4810];
	(xrf1) =	vsort.dscd.msk.f32 $0xffff, v8, v8;
	vm0 =	vlt.f32 v7, $3.000000120e-01;
	v7 =	vnsel vm1, $0x0, v3;
	v9, _, _ =	vpop (xrf1);
	v8 =	vmax.f32 v11, $0.0e+00  }
0x54: {  	v19 =	vld [tilespmem:s22+$0x40];
	(xrf1) =	vsort.dscd.msk.f32 $0xffff, v5, v5;
	v5 =	vmax.f32 v6, $0.0e+00;
	v11, _, _ =	vpop (xrf1);
	v8 =	vnsel vm0, $0x0, v8;
	vm0 =	vlt.f32 v12, $3.000000120e-01  }
0x55: {  	v18 =	vld [tilespmem:s22+$0x50];
	vm1 =	vlt.f32 v4, $3.000000120e-01;
	v6, _, _ =	vpop (xrf1);
	(xrf1) =	vsort.ascd.msk.f32 $0xffff, v7, v7;
	v4 =	vnsel vm0, $0x0, v5;
	v5 =	vmax.f32 v13, $0.0e+00  }
0x56: {  	v3 =	vld [tilespmem:s22+$0x4860];
	v7, _, _ =	vpop (xrf1);
	(xrf1) =	vsort.ascd.msk.f32 $0xffff, v8, v8;
	v5 =	vnsel vm1, $0x0, v5  }
0x57: {  	vm0 =	vlt.f32 v16, $3.000000120e-01;
	v13 =	vld [tilespmem:s22+$0x4830];
	v10 =	vmax.f32 v10, $0.0e+00;
	v8, _, _ =	vpop (xrf1);
	(xrf1) =	vsort.ascd.msk.f32 $0xffff, v4, v4  }
0x58: {  	v12 =	vmax.f32 v15, $0.0e+00;
	v16 =	vld [tilespmem:s22+$0x4850];
	vm1 =	vlt.f32 v17, $3.000000120e-01;
	v10 =	vnsel vm0, $0x0, v10;
	v15, _, _ =	vpop (xrf1);
	(xrf1) =	vsort.ascd.msk.f32 $0xffff, v5, v5  }
0x59: {  	v17 =	vld [tilespmem:s22+$0x4820];
	v12 =	vnsel vm1, $0x0, v12;
	v5, _, _ =	vpop (xrf1);
	(xrf1) =	vsort.dscd.msk.f32 $0xffff, v10, v10  }
0x5a: {  	v4 =	vld [tilespmem:s22+$0x4870];
	v5 =	vmax.f32 v6, v5;
	v6, _, _ =	vpop (xrf1);
	(xrf1) =	vsort.dscd.msk.f32 $0xffff, v12, v12  }
0x5b: {  	v7 =	vmax.f32 v7, v9;
	v10 =	vld [tilespmem:s22+$0x30];
	v9, _, _ =	vpop (xrf1);
	(xrf1) =	vsort.dscd.msk.f32 $0xffff, v5, v5  }
0x5c: {  	v12 =	vld [tilespmem:s22+$0x0];
	v5 =	vmax.f32 v8, v15;
	v8, _, _ =	vpop (xrf1);
	(xrf1) =	vsort.dscd.msk.f32 $0xffff, v7, v7  }
0x5d: {  	v15 =	vld [tilespmem:s22+$0x20];
	(xrf1) =	vsort.dscd.msk.f32 $0xffff, v5, v5;
	v5 =	vmax.f32 v1, v8  }
0x5e: {  	v6 =	vmax.f32 v1, v6;
	v7 =	vld [tilespmem:s22+$0x4800];
	(xrf1) =	vsort.ascd.msk.f32 $0xffff, v5, v5;
	v5 =	vmax.f32 v11, v14  }
0x5f: {  	vm1 =	vlt.f32 v13, $3.000000120e-01;
	v8 =	vld [tilespmem:s22+$0x4840];
	v11, _, _ =	vpop (xrf1);
	(xrf1) =	vsort.ascd.msk.f32 $0xffff, v6, v6  }
0x60: {  	vm0 =	vlt.f32 v17, $3.000000120e-01;
	v10 =	vmax.f32 v10, $0.0e+00;
	v6 =	vld [tilespmem:s22+$0x10];
	v13 =	vmax.f32 v1, v11;
	(xrf1) =	vsort.dscd.msk.f32 $0xffff, v5, v5  }
0x61: {  	v17 =	vmax.f32 v1, v9;
	v14 =	vnsel vm1, $0x0, v10;
	v10 =	vmax.f32 v19, $0.0e+00;
	v11 =	vld [tilespmem:s22+$0x60];
	v5, _, _ =	vpop (xrf1);
	(xrf1) =	vsort.ascd.msk.f32 $0xffff, v13, v13  }
0x62: {  	s23 =	simm.s32 $0x1000;
	vm1 =	vlt.f32 v16, $3.000000120e-01;
	v16 =	vmax.f32 v18, $0.0e+00;
	v15 =	vmax.f32 v15, $0.0e+00;
	v13 =	vld [tilespmem:s22+$0x70];
	v9, _, _ =	vpop (xrf1);
	(xrf1) =	vsort.ascd.msk.f32 $0xffff, v17, v17  }
.LBB2_3:
0x63: {  	p0 =	sne.s32 s23, $0x11C00;
	v12 =	vmax.f32 v12, $0.0e+00;
	v17 =	vld [tilespmem:s22+$0x4810];
	s22 =	sshra.s32 s23, $0x2;
	s23 =	sadd.s32 $0x400, s23;
	v16 =	vnsel vm1, $0x0, v16;
	(xrf1) =	vsort.dscd.msk.f32 $0xffff, v14, v14;
	v14, _, _ =	vpop (xrf1)  }
0x64: {  	vm1 =	vlt.f32 v7, $3.000000120e-01;
	v19 =	vnsel vm0, $0x0, v15;
	vm0 =	vlt.f32 v4, $3.000000120e-01;
	v18 =	vld [tilespmem:s22+$0x50];
	(xrf1) =	vsort.dscd.msk.f32 $0xffff, v16, v16;
	v15, _, _ =	vpop (xrf1)  }
0x65: {  	vm2 =	vlt.f32 v3, $3.000000120e-01;
	v4 =	vnsel vm1, $0x0, v12;
	vm1 =	vlt.f32 v8, $3.000000120e-01;
	v3 =	vld [tilespmem:s22+$0x4860];
	(xrf1) =	vsort.ascd.msk.f32 $0xffff, v19, v19;
	v7, _, _ =	vpop (xrf1)  }
0x66: {  	v19 =	vnsel vm1, $0x0, v10;
	v16 =	vld [tilespmem:s22+$0x40];
	v21 =	vmax.f32 v11, $0.0e+00;
	(xrf1) =	vsort.ascd.msk.f32 $0xffff, v4, v4;
	v7 =	vmax.f32 v7, v9;
	v9, _, _ =	vpop (xrf1)  }
0x67: {  	v6 =	vmax.f32 v6, $0.0e+00;
	v11 =	vld [tilespmem:s22+$0x4830];
	v20 =	vnsel vm2, $0x0, v21;
	v12 =	vmax.f32 v13, $0.0e+00;
	(xrf1) =	vsort.ascd.msk.f32 $0xffff, v19, v19;
	v8, _, _ =	vpop (xrf1)  }
0x68: {  	v5 =	vmax.f32 v14, v5;
	v4 =	vld [tilespmem:s22+$0x4870];
	vm1 =	vlt.f32 v17, $3.000000120e-01;
	v12 =	vnsel vm0, $0x0, v12;
	(xrf1) =	vsort.ascd.msk.f32 $0xffff, v20, v20;
	v10, _, _ =	vpop (xrf1)  }
0x69: {  	v13 =	vld [tilespmem:s22+$0x4850];
	v6 =	vnsel vm1, $0x0, v6;
	(xrf1) =	vsort.dscd.msk.f32 $0xffff, v12, v12;
	v10 =	vmax.f32 v15, v10;
	v14, _, _ =	vpop (xrf1)  }
0x6a: {  	v15 =	vld [tilespmem:s22+$0x30];
	(xrf1) =	vsort.dscd.msk.f32 $0xffff, v6, v6;
	v6 =	vmax.f32 v9, v8;
	v9, _, _ =	vpop (xrf1)  }
0x6b: {  	v17 =	vld [tilespmem:s22+$0x4820];
	(xrf1) =	vsort.dscd.msk.f32 $0xffff, v10, v10;
	v8, _, _ =	vpop (xrf1)  }
0x6c: {  	v19 =	vld [tilespmem:s22+$0x20];
	(xrf1) =	vsort.dscd.msk.f32 $0xffff, v7, v7;
	v10, _, _ =	vpop (xrf1)  }
0x6d: {  	v7 =	vld [tilespmem:s22+$0x4800];
	(xrf1) =	vsort.dscd.msk.f32 $0xffff, v6, v6;
	v6 =	vmax.f32 v10, v8;
	v8, _, _ =	vpop (xrf1)  }
.Ltmp0:
0x6e: {  	v12 =	vld [tilespmem:s22+$0x0];
	v21 =	vmax.f32 v8, v14;
	v14, _, _ =	vpop (xrf1);
	(xrf1) =	vsort.ascd.msk.f32 $0xffff, v6, v6;
	(pc) =	sbr.rel @p0 .LBB2_3-.Ltmp0, $4  }
0x6f: {  	v15 =	vmax.f32 v15, $0.0e+00;
	v8 =	vld [tilespmem:s22+$0x4840];
	(xrf1) =	vsort.ascd.msk.f32 $0xffff, v21, v21;
	v10, _, _ =	vpop (xrf1)  }
0x70: {  	vm1 =	vlt.f32 v11, $3.000000120e-01;
	v6 =	vld [tilespmem:s22+$0x10];
	vm0 =	vlt.f32 v17, $3.000000120e-01;
	(xrf1) =	vsort.dscd.msk.f32 $0xffff, v5, v5;
	v17 =	vmax.f32 v10, v14;
	v20, _, _ =	vpop (xrf1)  }
0x71: {  	v14 =	vnsel vm1, $0x0, v15;
	v10 =	vmax.f32 v16, $0.0e+00;
	v11 =	vld [tilespmem:s22+$0x60];
	v5, _, _ =	vpop (xrf1);
	v20 =	vmax.f32 v20, v9;
	(xrf1) =	vsort.ascd.msk.f32 $0xffff, v17, v17  }
0x72: {  	vm1 =	vlt.f32 v13, $3.000000120e-01;
	v16 =	vmax.f32 v18, $0.0e+00;
	v15 =	vmax.f32 v19, $0.0e+00;
	v13 =	vld [tilespmem:s22+$0x70];
	v9, _, _ =	vpop (xrf1);
	(xrf1) =	vsort.ascd.msk.f32 $0xffff, v20, v20  }
0x73: {  	v16 =	vnsel vm1, $0x0, v16  }
0x74: {  	v17 =	vld [tilespmem:s22+$0x4810];
	v12 =	vmax.f32 v12, $0.0e+00;
	vm1 =	vlt.f32 v7, $3.000000120e-01;
	v7 =	vnsel vm0, $0x0, v15  }
0x75: {  	(xrf1) =	vsort.dscd.msk.f32 $0xffff, v14, v14;
	v14, _, _ =	vpop (xrf1);
	v12 =	vnsel vm1, $0x0, v12;
	vm0 =	vlt.f32 v8, $3.000000120e-01  }
0x76: {  	(xrf1) =	vsort.dscd.msk.f32 $0xffff, v16, v16;
	v15, _, _ =	vpop (xrf1);
	vm1 =	vlt.f32 v3, $3.000000120e-01;
	v3 =	vnsel vm0, $0x0, v10;
	v8 =	vmax.f32 v11, $0.0e+00  }
0x77: {  	(xrf1) =	vsort.ascd.msk.f32 $0xffff, v7, v7;
	vm0 =	vlt.f32 v4, $3.000000120e-01;
	v7, _, _ =	vpop (xrf1);
	v4 =	vnsel vm1, $0x0, v8  }
0x78: {  	(xrf1) =	vsort.ascd.msk.f32 $0xffff, v12, v12;
	v10, _, _ =	vpop (xrf1);
	v8 =	vmax.f32 v13, $0.0e+00  }
0x79: {  	v6 =	vmax.f32 v6, $0.0e+00;
	(xrf1) =	vsort.ascd.msk.f32 $0xffff, v3, v3;
	v3, _, _ =	vpop (xrf1);
	vm1 =	vlt.f32 v17, $3.000000120e-01;
	v8 =	vnsel vm0, $0x0, v8  }
0x7a: {  	(xrf1) =	vsort.ascd.msk.f32 $0xffff, v4, v4;
	v6 =	vnsel vm1, $0x0, v6;
	v4, _, _ =	vpop (xrf1)  }
0x7b: {  	v4 =	vmax.f32 v15, v4  }
0x7c: {  	v7 =	vmax.f32 v7, v9;
	(xrf1) =	vsort.dscd.msk.f32 $0xffff, v8, v8;
	v8, _, _ =	vpop (xrf1)  }
0x7d: {  	(xrf1) =	vsort.dscd.msk.f32 $0xffff, v6, v6;
	v6, _, _ =	vpop (xrf1)  }
0x7e: {  	(xrf1) =	vsort.dscd.msk.f32 $0xffff, v4, v4;
	v4, _, _ =	vpop (xrf1)  }
0x7f: {  	v3 =	vmax.f32 v10, v3;
	(xrf1) =	vsort.dscd.msk.f32 $0xffff, v7, v7;
	v7, _, _ =	vpop (xrf1)  }
0x80: {  	(xrf1) =	vsort.dscd.msk.f32 $0xffff, v3, v3;
	v3 =	vmax.f32 v7, v4;
	v4, _, _ =	vpop (xrf1)  }
0x81: {  	v4 =	vmax.f32 v4, v8;
	_ =	sdelay $0x1  }
0x82: {  	v7, _, _ =	vpop (xrf1);
	(xrf1) =	vsort.ascd.msk.f32 $0xffff, v3, v3  }
0x83: {  	v3 =	vmax.f32 v14, v5;
	(xrf1) =	vsort.ascd.msk.f32 $0xffff, v4, v4;
	v4, _, _ =	vpop (xrf1)  }
0x84: {  	(xrf1) =	vsort.dscd.msk.f32 $0xffff, v3, v3;
	v3 =	vmax.f32 v4, v7;
	v4, _, _ =	vpop (xrf1)  }
0x85: {  	v4 =	vmax.f32 v4, v6  }
0x86: {  	v5, _, _ =	vpop (xrf1)  }
0x87: {  	(xrf1) =	vsort.ascd.msk.f32 $0xffff, v3, v3;
	v3, _, _ =	vpop (xrf1)  }
0x88: {  	(xrf1) =	vsort.ascd.msk.f32 $0xffff, v4, v4;
	v4, _, _ =	vpop (xrf1)  }
0x89: {  	v6, _, _ =	vpop (xrf1)  }
0x8a: {  	v7, _, _ =	vpop (xrf1)  }
0x8b: {  	v8, _, _ =	vpop (xrf1)  }
0x8c: {  	v9, _, _ =	vpop (xrf1)  }
0x8d: {  	v10, _, _ =	vpop (xrf1)  }
0x8e: {  	v6 =	vmax.f32 v6, v10  }
0x8f: {  	v3 =	vmax.f32 v7, v3;
	v11, _, _ =	vpop (xrf1)  }
0x90: {  	v10, _, _ =	vpop (xrf1)  }
0x91: {  	(xrf1) =	vsort.dscd.msk.f32 $0xffff, v6, v6;
	v6, _, _ =	vpop (xrf1)  }
0x92: {  	v7 =	vmax.f32 v8, v9;
	(xrf1) =	vsort.dscd.msk.f32 $0xffff, v3, v3;
	v3, _, _ =	vpop (xrf1)  }
0x93: {  	(xrf1) =	vsort.dscd.msk.f32 $0xffff, v7, v7;
	v3 =	vmax.f32 v3, v6  }
0x94: {  	v6, _, _ =	vpop (xrf1);
	(xrf1) =	vsort.ascd.msk.f32 $0xffff, v3, v3  }
0x95: {  	v6 =	vmax.f32 v6, v11;
	v7, _, _ =	vpop (xrf1)  }
0x96: {  	v3 =	vmax.f32 v4, v5;
	(xrf1) =	vsort.ascd.msk.f32 $0xffff, v6, v6;
	v4, _, _ =	vpop (xrf1)  }
0x97: {  	(xrf1) =	vsort.dscd.msk.f32 $0xffff, v3, v3;
	v3 =	vmax.f32 v4, v7;
	v4, _, _ =	vpop (xrf1)  }
0x98: {  	v4 =	vmax.f32 v4, v10;
	(xrf1) =	vsort.ascd.msk.f32 $0xffff, v3, v3  }
0x99: {  	(xrf1) =	vsort.ascd.msk.f32 $0xffff, v4, v4;
	_ =	sdelay $0x5  }
0x9a: {  	v3, _, _ =	vpop (xrf1)  }
0x9b: {  	v4, _, _ =	vpop (xrf1)  }
0x9c: {  	v5, _, _ =	vpop (xrf1)  }
0x9d: {  	v6, _, _ =	vpop (xrf1)  }
0x9e: {  	v5 =	vmax.f32 v6, v5  }
0x9f: {  	v7, _, _ =	vpop (xrf1)  }
0xa0: {  	v6, _, _ =	vpop (xrf1)  }
0xa1: {  	v3 =	vmax.f32 v7, v3;
	(xrf1) =	vsort.ascd.msk.f32 $0xffff, v5, v5;
	v5, _, _ =	vpop (xrf1)  }
0xa2: {  	(xrf1) =	vsort.ascd.msk.f32 $0xffff, v3, v3;
	v3 =	vmax.f32 v5, v6;
	v5, _, _ =	vpop (xrf1)  }
0xa3: {  	s31 =	simm.s32 $0x0;
	v4 =	vmax.f32 v5, v4;
	(xrf1) =	vsort.ascd.msk.f32 $0xffff, v3, v3  }
0xa4: {  	v18 =	vld [tilespmem:s31+$0x90];
	(xrf1) =	vsort.ascd.msk.f32 $0xffff, v4, v4  }
0xa5: {  	v19 =	vld [tilespmem:s31+$0xE0]  }
0xa6: {  	v21 =	vld [tilespmem:s31+$0xF0]  }
0xa7: {  	v12 =	vld [tilespmem:s31+$0x48A0]  }
0xa8: {  	v13 =	vld [tilespmem:s31+$0xA0]  }
0xa9: {  	v15 =	vld [tilespmem:s31+$0x80]  }
0xaa: {  	v14 =	vld [tilespmem:s31+$0x4880]  }
0xab: {  	v8 =	vld [tilespmem:s31+$0x48B0]  }
0xac: {  	v11 =	vld [tilespmem:s31+$0xB0]  }
0xad: {  	v10 =	vld [tilespmem:s31+$0x48D0]  }
0xae: {  	v7 =	vld [tilespmem:s31+$0xC0]  }
0xaf: {  	v5 =	vld [tilespmem:s31+$0xD0];
	v16, _, _ =	vpop (xrf1)  }
0xb0: {  	v6 =	vld [tilespmem:s31+$0x48E0];
	v3, _, _ =	vpop (xrf1)  }
0xb1: {  	v17 =	vld [tilespmem:s31+$0x48C0];
	vm1 =	vlt.f32 v12, $3.000000120e-01;
	v12 =	vmax.f32 v13, $0.0e+00;
	v16 =	vperm.xlane v16, v0;
	v4, _, _ =	vpop (xrf1)  }
0xb2: {  	v12 =	vnsel vm1, $0x0, v12;
	v9 =	vld [tilespmem:s31+$0x48F0];
	vm0 =	vlt.f32 v8, $3.000000120e-01;
	v11 =	vmax.f32 v11, $0.0e+00;
	v20, _, _ =	vpop (xrf1)  }
0xb3: {  	s24 =	simm.s32 $0x100;
	v13 =	vmax.f32 v15, $0.0e+00;
	v8 =	vld [tilespmem:s31+$0x4890];
	v11 =	vnsel vm0, $0x0, v11;
	v16 =	vmax.f32 v20, v16  }
0xb4: {  	v15 =	vld [tilespmem:s24+$0x4880];
	vm0 =	vlt.f32 v10, $3.000000120e-01;
	v7 =	vmax.f32 v7, $0.0e+00;
	v5 =	vmax.f32 v5, $0.0e+00;
	(xrf1) =	vsort.ascd.msk.f32 $0xffff, v16, v16  }
0xb5: {  	v10 =	vld [tilespmem:s24+$0xD0];
	vm1 =	vlt.f32 v6, $3.000000120e-01;
	v5 =	vnsel vm0, $0x0, v5;
	vm0 =	vlt.f32 v14, $3.000000120e-01;
	(xrf1) =	vsort.dscd.msk.f32 $0xffff, v11, v11  }
0xb6: {  	v14 =	vmax.f32 v18, $0.0e+00;
	v18 =	vld [tilespmem:s24+$0x90];
	v13 =	vnsel vm0, $0x0, v13;
	vm0 =	vlt.f32 v17, $3.000000120e-01;
	(xrf1) =	vsort.dscd.msk.f32 $0xffff, v5, v5  }
0xb7: {  	v17 =	vld [tilespmem:s24+$0x48C0];
	v6 =	vnsel vm0, $0x0, v7;
	v7 =	vmax.f32 v19, $0.0e+00;
	vm0 =	vlt.f32 v9, $3.000000120e-01;
	(xrf1) =	vsort.ascd.msk.f32 $0xffff, v12, v12  }
0xb8: {  	v9 =	vmax.f32 v21, $0.0e+00;
	v19 =	vld [tilespmem:s24+$0xE0];
	v7 =	vnsel vm1, $0x0, v7;
	vm1 =	vlt.f32 v8, $3.000000120e-01;
	(xrf1) =	vsort.ascd.msk.f32 $0xffff, v13, v13  }
0xb9: {  	v8 =	vnsel vm0, $0x0, v9;
	v9 =	vnsel vm1, $0x0, v14;
	v14 =	vld [tilespmem:s24+$0x48A0];
	(xrf1) =	vsort.ascd.msk.f32 $0xffff, v6, v6  }
0xba: {  	v16 =	vld [tilespmem:s24+$0x80];
	(xrf1) =	vsort.ascd.msk.f32 $0xffff, v7, v7  }
0xbb: {  	v12 =	vld [tilespmem:s24+$0x48B0];
	(xrf1) =	vsort.dscd.msk.f32 $0xffff, v8, v8  }
0xbc: {  	v7 =	vld [tilespmem:s24+$0xB0];
	(xrf1) =	vsort.dscd.msk.f32 $0xffff, v9, v9  }
0xbd: {  	v6 =	vld [tilespmem:s24+$0x48D0]  }
0xbe: {  	v9 =	vld [tilespmem:s24+$0xA0]  }
0xbf: {  	v11 =	vld [tilespmem:s24+$0x48E0]  }
0xc0: {  	v5 =	vld [tilespmem:s24+$0xC0]  }
0xc1: {  	v13 =	vld [tilespmem:s24+$0x48F0];
	vm0 =	vlt.f32 v12, $3.000000120e-01;
	v7 =	vmax.f32 v7, $0.0e+00  }
0xc2: {  	v12 =	vld [tilespmem:s24+$0xF0];
	v7 =	vnsel vm0, $0x0, v7;
	vm0 =	vlt.f32 v6, $3.000000120e-01;
	v6 =	vmax.f32 v10, $0.0e+00;
	v8, _, _ =	vpop (xrf1)  }
0xc3: {  	s23 =	simm.s32 $0x200;
	vm1 =	vlt.f32 v14, $3.000000120e-01;
	v10 =	vld [tilespmem:s24+$0x4890];
	v9 =	vmax.f32 v9, $0.0e+00;
	v6 =	vnsel vm0, $0x0, v6;
	(xrf1) =	vsort.dscd.msk.f32 $0xffff, v7, v7;
	v20, _, _ =	vpop (xrf1)  }
0xc4: {  	v16 =	vmax.f32 v16, $0.0e+00;
	v7 =	vld [tilespmem:s23+$0xD0];
	vm0 =	vlt.f32 v15, $3.000000120e-01;
	v9 =	vnsel vm1, $0x0, v9;
	(xrf1) =	vsort.dscd.msk.f32 $0xffff, v6, v6;
	v14, _, _ =	vpop (xrf1)  }
0xc5: {  	v5 =	vmax.f32 v5, $0.0e+00;
	v15 =	vld [tilespmem:s23+$0x48E0];
	v16 =	vnsel vm0, $0x0, v16;
	vm0 =	vlt.f32 v17, $3.000000120e-01;
	(xrf1) =	vsort.ascd.msk.f32 $0xffff, v9, v9;
	v62, _, _ =	vpop (xrf1)  }
0xc6: {  	vm1 =	vlt.f32 v11, $3.000000120e-01;
	v17 =	vmax.f32 v19, $0.0e+00;
	v9 =	vld [tilespmem:s23+$0xC0];
	v5 =	vnsel vm0, $0x0, v5;
	(xrf1) =	vsort.ascd.msk.f32 $0xffff, v16, v16;
	v6, _, _ =	vpop (xrf1)  }
0xc7: {  	v12 =	vmax.f32 v12, $0.0e+00;
	vm0 =	vlt.f32 v13, $3.000000120e-01;
	v17 =	vnsel vm1, $0x0, v17;
	v16 =	vld [tilespmem:s23+$0x48B0];
	(xrf1) =	vsort.ascd.msk.f32 $0xffff, v5, v5;
	v11, _, _ =	vpop (xrf1)  }
0xc8: {  	v18 =	vmax.f32 v18, $0.0e+00;
	v5 =	vld [tilespmem:s23+$0x48F0];
	vm1 =	vlt.f32 v10, $3.000000120e-01;
	v10 =	vnsel vm0, $0x0, v12;
	(xrf1) =	vsort.ascd.msk.f32 $0xffff, v17, v17;
	v13, _, _ =	vpop (xrf1)  }
0xc9: {  	v12 =	vld [tilespmem:s23+$0x48D0];
	v18 =	vnsel vm1, $0x0, v18;
	(xrf1) =	vsort.dscd.msk.f32 $0xffff, v10, v10;
	v19, _, _ =	vpop (xrf1)  }
0xca: {  	v10 =	vld [tilespmem:s23+$0xB0];
	(xrf1) =	vsort.dscd.msk.f32 $0xffff, v18, v18;
	v17, _, _ =	vpop (xrf1)  }
0xcb: {  	v6 =	vmax.f32 v6, v17;
	v17 =	vld [tilespmem:s23+$0x48A0]  }
0xcc: {  	v11 =	vmax.f32 v11, v14;
	(xrf1) =	vsort.dscd.msk.f32 $0xffff, v6, v6;
	v6 =	vld [tilespmem:s23+$0xA0]  }
0xcd: {  	v13 =	vmax.f32 v13, v19;
	(xrf1) =	vsort.dscd.msk.f32 $0xffff, v11, v11;
	v11 =	vld [tilespmem:s23+$0x4880]  }
0xce: {  	v18 =	vmax.f32 v62, v20;
	(xrf1) =	vsort.dscd.msk.f32 $0xffff, v13, v13;
	v13 =	vld [tilespmem:s23+$0x80]  }
0xcf: {  	vm0 =	vlt.f32 v16, $3.000000120e-01;
	v16 =	vld [tilespmem:s23+$0xE0];
	v10 =	vmax.f32 v10, $0.0e+00  }
0xd0: {  	v7 =	vmax.f32 v7, $0.0e+00;
	v14 =	vld [tilespmem:s23+$0x48C0];
	v10 =	vnsel vm0, $0x0, v10;
	(xrf1) =	vsort.dscd.msk.f32 $0xffff, v18, v18  }
0xd1: {  	vm0 =	vlt.f32 v12, $3.000000120e-01;
	v12 =	vld [tilespmem:s23+$0xF0];
	v18, _, _ =	vpop (xrf1);
	vm1 =	vlt.f32 v17, $3.000000120e-01;
	v6 =	vmax.f32 v6, $0.0e+00  }
0xd2: {  	v20 =	vld [tilespmem:s23+$0x4890];
	v7 =	vnsel vm0, $0x0, v7;
	v17, _, _ =	vpop (xrf1);
	(xrf1) =	vsort.dscd.msk.f32 $0xffff, v10, v10;
	vm0 =	vlt.f32 v11, $3.000000120e-01;
	v11 =	vnsel vm1, $0x0, v6  }
0xd3: {  	s22 =	simm.s32 $0x300;
	v19 =	vld [tilespmem:s23+$0x90];
	v63, _, _ =	vpop (xrf1);
	(xrf1) =	vsort.dscd.msk.f32 $0xffff, v7, v7;
	v7 =	vmax.f32 v9, $0.0e+00;
	v10 =	vmax.f32 v13, $0.0e+00  }
0xd4: {  	v22 =	vld [tilespmem:s22+$0xD0];
	v9, _, _ =	vpop (xrf1);
	vm1 =	vlt.f32 v15, $3.000000120e-01;
	(xrf1) =	vsort.ascd.msk.f32 $0xffff, v11, v11;
	v13 =	vmax.f32 v16, $0.0e+00;
	v10 =	vnsel vm0, $0x0, v10  }
0xd5: {  	v6 =	vld [tilespmem:s22+$0x48E0];
	vm0 =	vlt.f32 v14, $3.000000120e-01;
	v11, _, _ =	vpop (xrf1);
	(xrf1) =	vsort.ascd.msk.f32 $0xffff, v10, v10;
	v10 =	vnsel vm1, $0x0, v13  }
0xd6: {  	v15 =	vld [tilespmem:s22+$0x48B0];
	v12 =	vmax.f32 v12, $0.0e+00;
	v7 =	vnsel vm0, $0x0, v7;
	vm0 =	vlt.f32 v5, $3.000000120e-01;
	v5, _, _ =	vpop (xrf1)  }
0xd7: {  	v14 =	vld [tilespmem:s22+$0xC0];
	(xrf1) =	vsort.ascd.msk.f32 $0xffff, v7, v7;
	v12 =	vnsel vm0, $0x0, v12;
	v16, _, _ =	vpop (xrf1)  }
0xd8: {  	v13 =	vmax.f32 v19, $0.0e+00;
	vm1 =	vlt.f32 v20, $3.000000120e-01;
	v19 =	vld [tilespmem:s22+$0x48D0];
	(xrf1) =	vsort.ascd.msk.f32 $0xffff, v10, v10;
	v10, _, _ =	vpop (xrf1)  }
0xd9: {  	v20 =	vld [tilespmem:s22+$0xB0];
	v13 =	vnsel vm1, $0x0, v13;
	(xrf1) =	vsort.dscd.msk.f32 $0xffff, v12, v12;
	v9 =	vmax.f32 v9, v10  }
0xda: {  	v7 =	vld [tilespmem:s22+$0x48F0];
	(xrf1) =	vsort.dscd.msk.f32 $0xffff, v13, v13;
	v12, _, _ =	vpop (xrf1)  }
0xdb: {  	v24 =	vimm.f32 $0.0e+00;
	vm1 =	vlt.f32 v15, $3.000000120e-01;
	v15 =	vld [tilespmem:s22+$0xE0];
	v10 =	vmax.f32 v11, v17;
	(xrf1) =	vsort.dscd.msk.f32 $0xffff, v9, v9;
	v23, _, _ =	vpop (xrf1)  }
0xdc: {  	v5 =	vmax.f32 v5, v16;
	v17 =	vld [tilespmem:s22+$0x48A0];
	(xrf1) =	vsort.dscd.msk.f32 $0xffff, v10, v10;
	v12 =	vmax.f32 v24, v12;
	v9, _, _ =	vpop (xrf1)  }
0xdd: {  	v16 =	vld [tilespmem:s22+$0xA0];
	(xrf1) =	vsort.dscd.msk.f32 $0xffff, v5, v5;
	v5 =	vperm.xlane v4, v0;
	v9 =	vmax.f32 v24, v9  }
0xde: {  	v13 =	vld [tilespmem:s22+$0x80];
	v4 =	vperm.xlane v8, v0;
	v8 =	vmax.f32 v63, v18;
	v18, _, _ =	vpop (xrf1);
	(xrf1) =	vsort.ascd.msk.f32 $0xffff, v9, v9  }
0xdf: {  	v10 =	vld [tilespmem:s22+$0x4880];
	(xrf1) =	vsort.ascd.msk.f32 $0xffff, v12, v12;
	v12 =	vmax.f32 v24, v18  }
0xe0: {  	v11 =	vld [tilespmem:s22+$0x48C0];
	v14 =	vmax.f32 v14, $0.0e+00;
	v20 =	vmax.f32 v20, $0.0e+00;
	(xrf1) =	vsort.dscd.msk.f32 $0xffff, v8, v8  }
0xe1: {  	v9 =	vld [tilespmem:s22+$0x90];
	vm0 =	vlt.f32 v17, $3.000000120e-01;
	v17 =	vnsel vm1, $0x0, v20;
	v20 =	vmax.f32 v24, v23;
	v8, _, _ =	vpop (xrf1);
	(xrf1) =	vsort.ascd.msk.f32 $0xffff, v12, v12  }
0xe2: {  	s23 =	simm.s32 $0x1000;
	vm1 =	vlt.f32 v19, $3.000000120e-01;
	v19 =	vmax.f32 v22, $0.0e+00;
	v18 =	vmax.f32 v16, $0.0e+00;
	v16 =	vld [tilespmem:s22+$0xF0];
	v12, _, _ =	vpop (xrf1);
	(xrf1) =	vsort.ascd.msk.f32 $0xffff, v20, v20  }
.LBB2_5:
0xe3: {  	p0 =	sne.s32 s23, $0x11C00;
	v13 =	vmax.f32 v13, $0.0e+00;
	v20 =	vld [tilespmem:s22+$0x4890];
	s22 =	sshra.s32 s23, $0x2;
	s23 =	sadd.s32 $0x400, s23;
	v19 =	vnsel vm1, $0x0, v19;
	(xrf1) =	vsort.dscd.msk.f32 $0xffff, v17, v17;
	v17, _, _ =	vpop (xrf1)  }
0xe4: {  	vm1 =	vlt.f32 v10, $3.000000120e-01;
	v22 =	vnsel vm0, $0x0, v18;
	vm0 =	vlt.f32 v7, $3.000000120e-01;
	v21 =	vld [tilespmem:s22+$0xD0];
	(xrf1) =	vsort.dscd.msk.f32 $0xffff, v19, v19;
	v18, _, _ =	vpop (xrf1)  }
0xe5: {  	vm2 =	vlt.f32 v6, $3.000000120e-01;
	v7 =	vnsel vm1, $0x0, v13;
	vm1 =	vlt.f32 v11, $3.000000120e-01;
	v6 =	vld [tilespmem:s22+$0x48E0];
	(xrf1) =	vsort.ascd.msk.f32 $0xffff, v22, v22;
	v10, _, _ =	vpop (xrf1)  }
0xe6: {  	v22 =	vnsel vm1, $0x0, v14;
	v19 =	vld [tilespmem:s22+$0xC0];
	v24 =	vmax.f32 v15, $0.0e+00;
	(xrf1) =	vsort.ascd.msk.f32 $0xffff, v7, v7;
	v10 =	vmax.f32 v10, v12;
	v12, _, _ =	vpop (xrf1)  }
0xe7: {  	v9 =	vmax.f32 v9, $0.0e+00;
	v14 =	vld [tilespmem:s22+$0x48B0];
	v23 =	vnsel vm2, $0x0, v24;
	v24 =	vmax.f32 v16, $0.0e+00;
	(xrf1) =	vsort.ascd.msk.f32 $0xffff, v22, v22;
	v11, _, _ =	vpop (xrf1)  }
0xe8: {  	v8 =	vmax.f32 v17, v8;
	v7 =	vld [tilespmem:s22+$0x48F0];
	vm1 =	vlt.f32 v20, $3.000000120e-01;
	v20 =	vnsel vm0, $0x0, v24;
	(xrf1) =	vsort.ascd.msk.f32 $0xffff, v23, v23;
	v13, _, _ =	vpop (xrf1)  }
0xe9: {  	v16 =	vld [tilespmem:s22+$0x48D0];
	v9 =	vnsel vm1, $0x0, v9;
	(xrf1) =	vsort.dscd.msk.f32 $0xffff, v20, v20;
	v13 =	vmax.f32 v18, v13;
	v15, _, _ =	vpop (xrf1)  }
0xea: {  	v17 =	vld [tilespmem:s22+$0xB0];
	(xrf1) =	vsort.dscd.msk.f32 $0xffff, v9, v9;
	v9 =	vmax.f32 v12, v11;
	v12, _, _ =	vpop (xrf1)  }
0xeb: {  	v18 =	vld [tilespmem:s22+$0x48A0];
	(xrf1) =	vsort.dscd.msk.f32 $0xffff, v13, v13;
	v11, _, _ =	vpop (xrf1)  }
0xec: {  	v20 =	vld [tilespmem:s22+$0xA0];
	(xrf1) =	vsort.dscd.msk.f32 $0xffff, v10, v10;
	v13, _, _ =	vpop (xrf1)  }
0xed: {  	v10 =	vld [tilespmem:s22+$0x4880];
	(xrf1) =	vsort.dscd.msk.f32 $0xffff, v9, v9;
	v9 =	vmax.f32 v13, v11;
	v11, _, _ =	vpop (xrf1)  }
.Ltmp1:
0xee: {  	v13 =	vld [tilespmem:s22+$0x80];
	v23 =	vmax.f32 v11, v15;
	v22, _, _ =	vpop (xrf1);
	(xrf1) =	vsort.ascd.msk.f32 $0xffff, v9, v9;
	(pc) =	sbr.rel @p0 .LBB2_5-.Ltmp1, $4  }
0xef: {  	v17 =	vmax.f32 v17, $0.0e+00;
	v11 =	vld [tilespmem:s22+$0x48C0];
	(xrf1) =	vsort.ascd.msk.f32 $0xffff, v23, v23;
	v15, _, _ =	vpop (xrf1)  }
0xf0: {  	vm1 =	vlt.f32 v14, $3.000000120e-01;
	v9 =	vld [tilespmem:s22+$0x90];
	vm0 =	vlt.f32 v18, $3.000000120e-01;
	(xrf1) =	vsort.dscd.msk.f32 $0xffff, v8, v8;
	v18 =	vmax.f32 v15, v22;
	v22, _, _ =	vpop (xrf1)  }
0xf1: {  	v14 =	vmax.f32 v19, $0.0e+00;
	v17 =	vnsel vm1, $0x0, v17;
	v15 =	vld [tilespmem:s22+$0xE0];
	v8, _, _ =	vpop (xrf1);
	v22 =	vmax.f32 v22, v12;
	(xrf1) =	vsort.ascd.msk.f32 $0xffff, v18, v18  }
0xf2: {  	v19 =	vmax.f32 v21, $0.0e+00;
	vm1 =	vlt.f32 v16, $3.000000120e-01;
	v18 =	vmax.f32 v20, $0.0e+00;
	v16 =	vld [tilespmem:s22+$0xF0];
	v12, _, _ =	vpop (xrf1);
	(xrf1) =	vsort.ascd.msk.f32 $0xffff, v22, v22  }
0xf3: {  	v19 =	vnsel vm1, $0x0, v19  }
0xf4: {  	v20 =	vld [tilespmem:s22+$0x4890];
	v13 =	vmax.f32 v13, $0.0e+00;
	vm1 =	vlt.f32 v10, $3.000000120e-01;
	v10 =	vnsel vm0, $0x0, v18  }
0xf5: {  	(xrf1) =	vsort.dscd.msk.f32 $0xffff, v17, v17;
	v17, _, _ =	vpop (xrf1);
	v13 =	vnsel vm1, $0x0, v13;
	vm0 =	vlt.f32 v11, $3.000000120e-01  }
0xf6: {  	(xrf1) =	vsort.dscd.msk.f32 $0xffff, v19, v19;
	v18, _, _ =	vpop (xrf1);
	vm1 =	vlt.f32 v6, $3.000000120e-01;
	v6 =	vnsel vm0, $0x0, v14;
	v11 =	vmax.f32 v15, $0.0e+00  }
0xf7: {  	(xrf1) =	vsort.ascd.msk.f32 $0xffff, v10, v10;
	vm0 =	vlt.f32 v7, $3.000000120e-01;
	v10, _, _ =	vpop (xrf1);
	v7 =	vnsel vm1, $0x0, v11  }
0xf8: {  	(xrf1) =	vsort.ascd.msk.f32 $0xffff, v13, v13;
	v13, _, _ =	vpop (xrf1);
	v11 =	vmax.f32 v16, $0.0e+00  }
0xf9: {  	v9 =	vmax.f32 v9, $0.0e+00;
	(xrf1) =	vsort.ascd.msk.f32 $0xffff, v6, v6;
	v6, _, _ =	vpop (xrf1);
	vm1 =	vlt.f32 v20, $3.000000120e-01;
	v11 =	vnsel vm0, $0x0, v11  }
0xfa: {  	(xrf1) =	vsort.ascd.msk.f32 $0xffff, v7, v7;
	v9 =	vnsel vm1, $0x0, v9;
	v7, _, _ =	vpop (xrf1)  }
0xfb: {  	v7 =	vmax.f32 v18, v7  }
0xfc: {  	v10 =	vmax.f32 v10, v12;
	(xrf1) =	vsort.dscd.msk.f32 $0xffff, v11, v11;
	v11, _, _ =	vpop (xrf1)  }
0xfd: {  	(xrf1) =	vsort.dscd.msk.f32 $0xffff, v9, v9;
	v9, _, _ =	vpop (xrf1)  }
0xfe: {  	(xrf1) =	vsort.dscd.msk.f32 $0xffff, v7, v7;
	v7, _, _ =	vpop (xrf1)  }
0xff: {  	v6 =	vmax.f32 v13, v6;
	(xrf1) =	vsort.dscd.msk.f32 $0xffff, v10, v10;
	v10, _, _ =	vpop (xrf1)  }
0x100: {  	(xrf1) =	vsort.dscd.msk.f32 $0xffff, v6, v6;
	v6 =	vmax.f32 v10, v7;
	v7, _, _ =	vpop (xrf1)  }
0x101: {  	v7 =	vmax.f32 v7, v11;
	_ =	sdelay $0x1  }
0x102: {  	v10, _, _ =	vpop (xrf1);
	(xrf1) =	vsort.ascd.msk.f32 $0xffff, v6, v6  }
0x103: {  	v6 =	vmax.f32 v17, v8;
	(xrf1) =	vsort.ascd.msk.f32 $0xffff, v7, v7;
	v7, _, _ =	vpop (xrf1)  }
0x104: {  	(xrf1) =	vsort.dscd.msk.f32 $0xffff, v6, v6;
	v6 =	vmax.f32 v7, v10;
	v7, _, _ =	vpop (xrf1)  }
0x105: {  	v7 =	vmax.f32 v7, v9  }
0x106: {  	v8, _, _ =	vpop (xrf1)  }
0x107: {  	(xrf1) =	vsort.ascd.msk.f32 $0xffff, v6, v6;
	v6, _, _ =	vpop (xrf1)  }
0x108: {  	(xrf1) =	vsort.ascd.msk.f32 $0xffff, v7, v7;
	v7, _, _ =	vpop (xrf1)  }
0x109: {  	v9, _, _ =	vpop (xrf1)  }
0x10a: {  	v10, _, _ =	vpop (xrf1)  }
0x10b: {  	v11, _, _ =	vpop (xrf1)  }
0x10c: {  	v12, _, _ =	vpop (xrf1)  }
0x10d: {  	v13, _, _ =	vpop (xrf1)  }
0x10e: {  	v9 =	vmax.f32 v9, v13  }
0x10f: {  	v6 =	vmax.f32 v10, v6;
	v14, _, _ =	vpop (xrf1)  }
0x110: {  	v13, _, _ =	vpop (xrf1)  }
0x111: {  	(xrf1) =	vsort.dscd.msk.f32 $0xffff, v9, v9;
	v9, _, _ =	vpop (xrf1)  }
0x112: {  	v10 =	vmax.f32 v11, v12;
	(xrf1) =	vsort.dscd.msk.f32 $0xffff, v6, v6;
	v6, _, _ =	vpop (xrf1)  }
0x113: {  	(xrf1) =	vsort.dscd.msk.f32 $0xffff, v10, v10;
	v6 =	vmax.f32 v6, v9  }
0x114: {  	v9, _, _ =	vpop (xrf1);
	(xrf1) =	vsort.ascd.msk.f32 $0xffff, v6, v6  }
0x115: {  	v9 =	vmax.f32 v9, v14;
	v10, _, _ =	vpop (xrf1)  }
0x116: {  	v6 =	vmax.f32 v7, v8;
	(xrf1) =	vsort.ascd.msk.f32 $0xffff, v9, v9;
	v7, _, _ =	vpop (xrf1)  }
0x117: {  	(xrf1) =	vsort.dscd.msk.f32 $0xffff, v6, v6;
	v6 =	vmax.f32 v7, v10;
	v7, _, _ =	vpop (xrf1)  }
0x118: {  	v7 =	vmax.f32 v7, v13;
	(xrf1) =	vsort.ascd.msk.f32 $0xffff, v6, v6  }
0x119: {  	(xrf1) =	vsort.ascd.msk.f32 $0xffff, v7, v7;
	_ =	sdelay $0x5  }
0x11a: {  	v6, _, _ =	vpop (xrf1)  }
0x11b: {  	v7, _, _ =	vpop (xrf1)  }
0x11c: {  	v8, _, _ =	vpop (xrf1)  }
0x11d: {  	v9, _, _ =	vpop (xrf1)  }
0x11e: {  	v8 =	vmax.f32 v9, v8  }
0x11f: {  	v10, _, _ =	vpop (xrf1)  }
0x120: {  	v9, _, _ =	vpop (xrf1)  }
0x121: {  	v6 =	vmax.f32 v10, v6;
	(xrf1) =	vsort.ascd.msk.f32 $0xffff, v8, v8;
	v8, _, _ =	vpop (xrf1)  }
0x122: {  	(xrf1) =	vsort.ascd.msk.f32 $0xffff, v6, v6;
	v6 =	vmax.f32 v8, v9;
	v8, _, _ =	vpop (xrf1)  }
0x123: {  	v7 =	vmax.f32 v8, v7;
	(xrf1) =	vsort.ascd.msk.f32 $0xffff, v6, v6  }
0x124: {  	v3 =	vmax.f32 v3, v5;
	(xrf1) =	vsort.ascd.msk.f32 $0xffff, v7, v7  }
0x125: {  	(xrf1) =	vsort.ascd.msk.f32 $0xffff, v3, v3;
	_ =	sdelay $0x9  }
0x126: {  	v3, _, _ =	vpop (xrf1)  }
0x127: {  	v5, _, _ =	vpop (xrf1)  }
0x128: {  	v6, _, _ =	vpop (xrf1)  }
0x129: {  	v7, _, _ =	vpop (xrf1)  }
0x12a: {  	v6 =	vperm.xlane v6, v0;
	v8, _, _ =	vpop (xrf1)  }
0x12b: {  	v3 =	vperm.xlane v3, v0;
	v4 =	vmax.f32 v8, v4  }
0x12c: {  	(xrf1) =	vsort.ascd.msk.f32 $0xffff, v4, v4;
	v4 =	vmax.f32 v5, v6  }
0x12d: {  	v3 =	vmax.f32 v7, v3;
	(xrf1) =	vsort.ascd.msk.f32 $0xffff, v4, v4  }
0x12e: {  	(xrf1) =	vsort.ascd.msk.f32 $0xffff, v3, v3;
	_ =	sdelay $0xb  }
0x12f: {  	v3, _, _ =	vpop (xrf1)  }
0x130: {  	v4, _, _ =	vpop (xrf1)  }
0x131: {  	v5, _, _ =	vpop (xrf1)  }
0x132: {  	v5 =	vperm.xlane v5, v0;
	_ =	sdelay $0x1  }
0x133: {  	v4 =	vmax.f32 v4, v5  }
0x134: {  	(xrf1) =	vsort.ascd.msk.f32 $0xffff, v4, v4;
	_ =	sdelay $0x3  }
0x135: {  	p0 =	seq.s32 s20, $0x1F  }
0x136: {  	s21 =	sadd.s32 @!p0 $0x4, s21  }
0x137: {  	s22 =	sshrl.u32 @!p0 s21, $0x3  }
0x138: {  	s21 =	sshll.u32 @!p0 s21, $0x7;
	s22 =	smul.u32 @!p0 $0x12000, s22  }
0x139: {  	s21 =	sand.u32 @!p0 $0x200, s21  }
0x13a: {  	s21 =	sor.u32 @!p0 s21, s22  }
0x13b: {  	s23 =	simm.s32 @!p0 $0x100;
	s21 =	sshrl.u32 @!p0 s21, $0x3  }
0x13c: {  	s24 =	simm.s32 @!p0 $0x400;
	s25 =	simm.s32 @!p0 $0x0;
	s22 =	sadd.s32 @!p0 s1, s21  }
0x13d: {  	[tilespmem:s25], [sflag:$0x1] =	stream.strided.gather @!p0 [hbm4b:s22+s23], $0x4800, s24, s23, $0x38;
	[tilespmem:$0x12080] =	vst v63  }
0x13e: {  	s21 =	sadd.s32 @!p0 s3, s21;
	s22 =	simm.s32 @!p0 $0x4800  }
0x13f: {  	[tilespmem:s22], [sflag:$0x1] =	stream.strided.gather @!p0 [hbm4b:s21+s23], $0x4800, s24, s23, $0x38;
	v4, _, _ =	vpop (xrf1);
	[tilespmem:$0x12080] =	vst v63  }
0x140: {  	_ =	swait.ge [sflag:s16], $0x4800  }
0x141: {  	[sflag:s16] =	ssyncset.done $0x0  }
0x142: {  	[sflag:s16] =	ssyncadd.s32 $0xFFFFB800  }
0x143: {  	_ =	swait.ge [sflag:s16], $0x4800  }
0x144: {  	[sflag:s16] =	ssyncset.done $0x0  }
0x145: {  	s29 =	simm.s32 $0x0;
	[sflag:s16] =	ssyncadd.s32 $0xFFFFB800  }
0x146: {  	v5 =	vld [tilespmem:s29+$0x9050]  }
0x147: {  	v6 =	vld [tilespmem:s29+$0xD860]  }
0x148: {  	v7 =	vld [tilespmem:s29+$0x9040]  }
0x149: {  	v8 =	vld [tilespmem:s29+$0xD830]  }
0x14a: {  	v9 =	vld [tilespmem:s29+$0xD870]  }
0x14b: {  	v10 =	vld [tilespmem:s29+$0xD850]  }
0x14c: {  	v11 =	vld [tilespmem:s29+$0x9030]  }
0x14d: {  	v12 =	vld [tilespmem:s29+$0xD820]  }
0x14e: {  	v13 =	vld [tilespmem:s29+$0x9020]  }
0x14f: {  	v14 =	vld [tilespmem:s29+$0xD800]  }
0x150: {  	v15 =	vld [tilespmem:s29+$0x9000]  }
0x151: {  	v16 =	vld [tilespmem:s29+$0xD840]  }
0x152: {  	v17 =	vld [tilespmem:s29+$0x9010]  }
0x153: {  	v18 =	vld [tilespmem:s29+$0x9060]  }
0x154: {  	v19 =	vld [tilespmem:s29+$0x9070]  }
0x155: {  	s30 =	simm.s32 $0x100;
	v11 =	vmax.f32 v11, $0.0e+00;
	vm0 =	vlt.f32 v8, $3.000000120e-01;
	v8 =	vld [tilespmem:s29+$0xD810]  }
0x156: {  	vm1 =	vlt.f32 v12, $3.000000120e-01;
	v12 =	vmax.f32 v13, $0.0e+00;
	v13 =	vmax.f32 v15, $0.0e+00;
	v15 =	vld [tilespmem:s30+$0x9000]  }
0x157: {  	v5 =	vmax.f32 v5, $0.0e+00;
	v11 =	vnsel vm0, $0x0, v11;
	vm0 =	vlt.f32 v10, $3.000000120e-01;
	v10 =	vld [tilespmem:s30+$0x9050]  }
0x158: {  	v5 =	vnsel vm0, $0x0, v5;
	(xrf1) =	vsort.dscd.msk.f32 $0xffff, v11, v11;
	v11 =	vld [tilespmem:s30+$0xD860]  }
0x159: {  	v12 =	vnsel vm1, $0x0, v12;
	vm0 =	vlt.f32 v14, $3.000000120e-01;
	v14 =	vmax.f32 v17, $0.0e+00;
	v17 =	vld [tilespmem:s30+$0x9010];
	(xrf1) =	vsort.dscd.msk.f32 $0xffff, v5, v5  }
0x15a: {  	v7 =	vmax.f32 v7, $0.0e+00;
	v5 =	vld [tilespmem:s30+$0x9040];
	v13 =	vnsel vm0, $0x0, v13;
	vm0 =	vlt.f32 v16, $3.000000120e-01;
	(xrf1) =	vsort.ascd.msk.f32 $0xffff, v12, v12  }
0x15b: {  	vm1 =	vlt.f32 v6, $3.000000120e-01;
	v16 =	vld [tilespmem:s30+$0xD840];
	v6 =	vnsel vm0, $0x0, v7;
	v7 =	vmax.f32 v18, $0.0e+00;
	(xrf1) =	vsort.ascd.msk.f32 $0xffff, v13, v13  }
0x15c: {  	v12 =	vld [tilespmem:s30+$0xD830];
	vm0 =	vlt.f32 v9, $3.000000120e-01;
	v9 =	vmax.f32 v19, $0.0e+00;
	v7 =	vnsel vm1, $0x0, v7;
	(xrf1) =	vsort.ascd.msk.f32 $0xffff, v6, v6  }
0x15d: {  	v18 =	vld [tilespmem:s30+$0x9060];
	vm1 =	vlt.f32 v8, $3.000000120e-01;
	v8 =	vnsel vm0, $0x0, v9;
	(xrf1) =	vsort.ascd.msk.f32 $0xffff, v7, v7  }
0x15e: {  	v6 =	vld [tilespmem:s30+$0xD850];
	v9 =	vnsel vm1, $0x0, v14;
	(xrf1) =	vsort.dscd.msk.f32 $0xffff, v8, v8  }
0x15f: {  	v7 =	vld [tilespmem:s30+$0x9030];
	(xrf1) =	vsort.dscd.msk.f32 $0xffff, v9, v9  }
0x160: {  	v8 =	vld [tilespmem:s30+$0xD820]  }
0x161: {  	v9 =	vld [tilespmem:s30+$0x9020]  }
0x162: {  	v14 =	vld [tilespmem:s30+$0xD800]  }
0x163: {  	v13 =	vld [tilespmem:s30+$0xD870]  }
0x164: {  	v15 =	vmax.f32 v15, $0.0e+00;
	vm0 =	vlt.f32 v12, $3.000000120e-01;
	v12 =	vld [tilespmem:s30+$0x9070];
	v7 =	vmax.f32 v7, $0.0e+00  }
0x165: {  	s31 =	simm.s32 $0x200;
	v7 =	vnsel vm0, $0x0, v7;
	vm0 =	vlt.f32 v6, $3.000000120e-01;
	v6 =	vmax.f32 v10, $0.0e+00;
	v10 =	vld [tilespmem:s30+$0xD810]  }
0x166: {  	vm1 =	vlt.f32 v8, $3.000000120e-01;
	v8 =	vmax.f32 v9, $0.0e+00;
	v6 =	vnsel vm0, $0x0, v6;
	(xrf1) =	vsort.dscd.msk.f32 $0xffff, v7, v7;
	v7 =	vld [tilespmem:s31+$0x9050];
	v19, _, _ =	vpop (xrf1)  }
0x167: {  	v5 =	vmax.f32 v5, $0.0e+00;
	vm0 =	vlt.f32 v14, $3.000000120e-01;
	v8 =	vnsel vm1, $0x0, v8;
	(xrf1) =	vsort.dscd.msk.f32 $0xffff, v6, v6;
	v6 =	vld [tilespmem:s31+$0xD860];
	v9, _, _ =	vpop (xrf1)  }
0x168: {  	v15 =	vnsel vm0, $0x0, v15;
	vm0 =	vlt.f32 v16, $3.000000120e-01;
	v16 =	vmax.f32 v18, $0.0e+00;
	v18 =	vld [tilespmem:s31+$0xD870];
	(xrf1) =	vsort.ascd.msk.f32 $0xffff, v8, v8;
	v62, _, _ =	vpop (xrf1)  }
0x169: {  	vm1 =	vlt.f32 v11, $3.000000120e-01;
	v8 =	vld [tilespmem:s31+$0x9040];
	v5 =	vnsel vm0, $0x0, v5;
	(xrf1) =	vsort.ascd.msk.f32 $0xffff, v15, v15;
	v14, _, _ =	vpop (xrf1)  }
0x16a: {  	v12 =	vmax.f32 v12, $0.0e+00;
	vm0 =	vlt.f32 v13, $3.000000120e-01;
	v16 =	vnsel vm1, $0x0, v16;
	v15 =	vld [tilespmem:s31+$0xD830];
	(xrf1) =	vsort.ascd.msk.f32 $0xffff, v5, v5;
	v11, _, _ =	vpop (xrf1)  }
0x16b: {  	v5 =	vmax.f32 v17, $0.0e+00;
	vm1 =	vlt.f32 v10, $3.000000120e-01;
	v10 =	vnsel vm0, $0x0, v12;
	v12 =	vld [tilespmem:s31+$0xD850];
	(xrf1) =	vsort.ascd.msk.f32 $0xffff, v16, v16;
	v13, _, _ =	vpop (xrf1)  }
0x16c: {  	v5 =	vnsel vm1, $0x0, v5;
	(xrf1) =	vsort.dscd.msk.f32 $0xffff, v10, v10;
	v10 =	vld [tilespmem:s31+$0x9030];
	v17, _, _ =	vpop (xrf1)  }
0x16d: {  	(xrf1) =	vsort.dscd.msk.f32 $0xffff, v5, v5;
	v5 =	vld [tilespmem:s31+$0xD820];
	v16, _, _ =	vpop (xrf1)  }
0x16e: {  	v9 =	vmax.f32 v11, v9;
	v11 =	vld [tilespmem:s31+$0x9020];
	v14 =	vmax.f32 v14, v16  }
0x16f: {  	vm0 =	vlt.f32 v15, $3.000000120e-01;
	v15 =	vld [tilespmem:s31+$0x9060];
	(xrf1) =	vsort.dscd.msk.f32 $0xffff, v14, v14  }
0x170: {  	v13 =	vmax.f32 v13, v17;
	(xrf1) =	vsort.dscd.msk.f32 $0xffff, v9, v9;
	v9 =	vld [tilespmem:s31+$0xD800]  }
0x171: {  	(xrf1) =	vsort.dscd.msk.f32 $0xffff, v13, v13;
	v13 =	vld [tilespmem:s31+$0x9000]  }
0x172: {  	v16 =	vmax.f32 v62, v19;
	v14 =	vld [tilespmem:s31+$0xD840]  }
0x173: {  	v17 =	vld [tilespmem:s31+$0x9010];
	v10 =	vmax.f32 v10, $0.0e+00  }
0x174: {  	v7 =	vmax.f32 v7, $0.0e+00;
	v10 =	vnsel vm0, $0x0, v10;
	vm0 =	vlt.f32 v12, $3.000000120e-01;
	v12 =	vld [tilespmem:s31+$0x9070];
	(xrf1) =	vsort.dscd.msk.f32 $0xffff, v16, v16  }
0x175: {  	v19 =	vld [tilespmem:s31+$0xD810];
	vm1 =	vlt.f32 v5, $3.000000120e-01;
	v5 =	vmax.f32 v11, $0.0e+00;
	v7 =	vnsel vm0, $0x0, v7;
	v16, _, _ =	vpop (xrf1)  }
0x176: {  	s21 =	simm.s32 $0x300;
	v11, _, _ =	vpop (xrf1);
	(xrf1) =	vsort.dscd.msk.f32 $0xffff, v10, v10;
	vm0 =	vlt.f32 v9, $3.000000120e-01;
	v9 =	vnsel vm1, $0x0, v5;
	v10 =	vmax.f32 v13, $0.0e+00  }
0x177: {  	v63 =	vld [tilespmem:s21+$0x9050];
	v13, _, _ =	vpop (xrf1);
	(xrf1) =	vsort.dscd.msk.f32 $0xffff, v7, v7;
	v7 =	vmax.f32 v8, $0.0e+00;
	v10 =	vnsel vm0, $0x0, v10;
	vm0 =	vlt.f32 v14, $3.000000120e-01  }
0x178: {  	v21 =	vld [tilespmem:s21+$0x9040];
	vm1 =	vlt.f32 v6, $3.000000120e-01;
	v8, _, _ =	vpop (xrf1);
	(xrf1) =	vsort.ascd.msk.f32 $0xffff, v9, v9;
	v6 =	vnsel vm0, $0x0, v7;
	v7 =	vmax.f32 v15, $0.0e+00  }
0x179: {  	v5 =	vld [tilespmem:s21+$0xD860];
	v12 =	vmax.f32 v12, $0.0e+00;
	v9, _, _ =	vpop (xrf1);
	(xrf1) =	vsort.ascd.msk.f32 $0xffff, v10, v10;
	v7 =	vnsel vm1, $0x0, v7  }
0x17a: {  	v14 =	vld [tilespmem:s21+$0xD830];
	vm0 =	vlt.f32 v18, $3.000000120e-01;
	v15 =	vmax.f32 v17, $0.0e+00;
	(xrf1) =	vsort.ascd.msk.f32 $0xffff, v6, v6;
	vm1 =	vlt.f32 v19, $3.000000120e-01;
	v10, _, _ =	vpop (xrf1)  }
0x17b: {  	v18 =	vld [tilespmem:s21+$0xD850];
	v12 =	vnsel vm0, $0x0, v12;
	vm0 =	vmmov $0xff;
	v15 =	vnsel vm1, $0x0, v15;
	v17, _, _ =	vpop (xrf1);
	(xrf1) =	vsort.ascd.msk.f32 $0xffff, v7, v7  }
0x17c: {  	v6 =	vld [tilespmem:s21+$0xD870];
	v9 =	vmax.f32 v9, v11;
	v3 =	vsel vm0, $0x0, v3;
	v7, _, _ =	vpop (xrf1);
	(xrf1) =	vsort.dscd.msk.f32 $0xffff, v12, v12  }
0x17d: {  	v11 =	vld [tilespmem:s21+$0xD820];
	v2 =	vadd.f32 v3, v2;
	v7 =	vmax.f32 v8, v7;
	v8, _, _ =	vpop (xrf1);
	(xrf1) =	vsort.dscd.msk.f32 $0xffff, v15, v15  }
0x17e: {  	v4 =	vsel vm0, $0x0, v4;
	v12 =	vld [tilespmem:s21+$0x9030];
	v15, _, _ =	vpop (xrf1);
	(xrf1) =	vsort.dscd.msk.f32 $0xffff, v7, v7  }
0x17f: {  	v19 =	vimm.f32 $0.0e+00;
	v10 =	vmax.f32 v10, v17;
	v2 =	vadd.f32 v4, v2;
	v4 =	vld [tilespmem:s21+$0x9010];
	v17, _, _ =	vpop (xrf1);
	(xrf1) =	vsort.dscd.msk.f32 $0xffff, v9, v9  }
0x180: {  	v9 =	vld [tilespmem:s21+$0x9020];
	(xrf1) =	vsort.dscd.msk.f32 $0xffff, v10, v10;
	v3 =	vmax.f32 v19, v17  }
0x181: {  	v10 =	vld [tilespmem:s21+$0x9000];
	v17 =	vmax.f32 v19, v8;
	(xrf1) =	vsort.ascd.msk.f32 $0xffff, v3, v3;
	v3 =	vmax.f32 v13, v16  }
0x182: {  	vm2 =	vlt.f32 v14, $3.000000120e-01;
	v7 =	vld [tilespmem:s21+$0xD800];
	v13, _, _ =	vpop (xrf1);
	(xrf1) =	vsort.ascd.msk.f32 $0xffff, v17, v17  }
0x183: {  	vm1 =	vlt.f32 v11, $3.000000120e-01;
	v8 =	vld [tilespmem:s21+$0xD840];
	v12 =	vmax.f32 v12, $0.0e+00;
	v13 =	vmax.f32 v19, v13;
	(xrf1) =	vsort.dscd.msk.f32 $0xffff, v3, v3  }
0x184: {  	v11 =	vmax.f32 v21, $0.0e+00;
	v14 =	vnsel vm2, $0x0, v12;
	v12 =	vld [tilespmem:s21+$0x9060];
	v17 =	vmax.f32 v19, v15;
	v3, _, _ =	vpop (xrf1);
	(xrf1) =	vsort.ascd.msk.f32 $0xffff, v13, v13  }
0x185: {  	s22 =	simm.s32 $0x1000;
	v16 =	vmax.f32 v63, $0.0e+00;
	vm2 =	vlt.f32 v18, $3.000000120e-01;
	v15 =	vmax.f32 v9, $0.0e+00;
	v13 =	vld [tilespmem:s21+$0x9070];
	v9, _, _ =	vpop (xrf1);
	(xrf1) =	vsort.ascd.msk.f32 $0xffff, v17, v17  }
.LBB2_7:
0x186: {  	p0 =	sne.s32 s22, $0x11C00;
	v10 =	vmax.f32 v10, $0.0e+00;
	v17 =	vld [tilespmem:s21+$0xD810];
	s21 =	sshra.s32 s22, $0x2;
	s22 =	sadd.s32 $0x400, s22;
	v16 =	vnsel vm2, $0x0, v16;
	(xrf1) =	vsort.dscd.msk.f32 $0xffff, v14, v14;
	v14, _, _ =	vpop (xrf1)  }
0x187: {  	vm2 =	vlt.f32 v7, $3.000000120e-01;
	v19 =	vnsel vm1, $0x0, v15;
	vm1 =	vlt.f32 v6, $3.000000120e-01;
	v18 =	vld [tilespmem:s21+$0x9050];
	(xrf1) =	vsort.dscd.msk.f32 $0xffff, v16, v16;
	v15, _, _ =	vpop (xrf1)  }
0x188: {  	vm3 =	vlt.f32 v5, $3.000000120e-01;
	v6 =	vnsel vm2, $0x0, v10;
	vm2 =	vlt.f32 v8, $3.000000120e-01;
	v5 =	vld [tilespmem:s21+$0xD860];
	(xrf1) =	vsort.ascd.msk.f32 $0xffff, v19, v19;
	v7, _, _ =	vpop (xrf1)  }
0x189: {  	v19 =	vnsel vm2, $0x0, v11;
	v16 =	vld [tilespmem:s21+$0x9040];
	v21 =	vmax.f32 v12, $0.0e+00;
	(xrf1) =	vsort.ascd.msk.f32 $0xffff, v6, v6;
	v7 =	vmax.f32 v7, v9;
	v9, _, _ =	vpop (xrf1)  }
0x18a: {  	v4 =	vmax.f32 v4, $0.0e+00;
	v11 =	vld [tilespmem:s21+$0xD830];
	v20 =	vnsel vm3, $0x0, v21;
	v21 =	vmax.f32 v13, $0.0e+00;
	(xrf1) =	vsort.ascd.msk.f32 $0xffff, v19, v19;
	v8, _, _ =	vpop (xrf1)  }
0x18b: {  	v3 =	vmax.f32 v14, v3;
	v6 =	vld [tilespmem:s21+$0xD870];
	vm2 =	vlt.f32 v17, $3.000000120e-01;
	v17 =	vnsel vm1, $0x0, v21;
	(xrf1) =	vsort.ascd.msk.f32 $0xffff, v20, v20;
	v10, _, _ =	vpop (xrf1)  }
0x18c: {  	v13 =	vld [tilespmem:s21+$0xD850];
	v4 =	vnsel vm2, $0x0, v4;
	(xrf1) =	vsort.dscd.msk.f32 $0xffff, v17, v17;
	v10 =	vmax.f32 v15, v10;
	v12, _, _ =	vpop (xrf1)  }
0x18d: {  	v14 =	vld [tilespmem:s21+$0x9030];
	(xrf1) =	vsort.dscd.msk.f32 $0xffff, v4, v4;
	v4 =	vmax.f32 v9, v8;
	v9, _, _ =	vpop (xrf1)  }
0x18e: {  	v15 =	vld [tilespmem:s21+$0xD820];
	(xrf1) =	vsort.dscd.msk.f32 $0xffff, v10, v10;
	v8, _, _ =	vpop (xrf1)  }
0x18f: {  	v17 =	vld [tilespmem:s21+$0x9020];
	(xrf1) =	vsort.dscd.msk.f32 $0xffff, v7, v7;
	v10, _, _ =	vpop (xrf1)  }
0x190: {  	v7 =	vld [tilespmem:s21+$0xD800];
	(xrf1) =	vsort.dscd.msk.f32 $0xffff, v4, v4;
	v4 =	vmax.f32 v10, v8;
	v8, _, _ =	vpop (xrf1)  }
.Ltmp2:
0x191: {  	v10 =	vld [tilespmem:s21+$0x9000];
	v20 =	vmax.f32 v8, v12;
	v19, _, _ =	vpop (xrf1);
	(xrf1) =	vsort.ascd.msk.f32 $0xffff, v4, v4;
	(pc) =	sbr.rel @p0 .LBB2_7-.Ltmp2, $4  }
0x192: {  	v14 =	vmax.f32 v14, $0.0e+00;
	v8 =	vld [tilespmem:s21+$0xD840];
	(xrf1) =	vsort.ascd.msk.f32 $0xffff, v20, v20;
	v12, _, _ =	vpop (xrf1)  }
0x193: {  	vm2 =	vlt.f32 v11, $3.000000120e-01;
	v4 =	vld [tilespmem:s21+$0x9010];
	vm1 =	vlt.f32 v15, $3.000000120e-01;
	(xrf1) =	vsort.dscd.msk.f32 $0xffff, v3, v3;
	v15 =	vmax.f32 v12, v19;
	v19, _, _ =	vpop (xrf1)  }
0x194: {  	v11 =	vmax.f32 v16, $0.0e+00;
	v14 =	vnsel vm2, $0x0, v14;
	v12 =	vld [tilespmem:s21+$0x9060];
	v3, _, _ =	vpop (xrf1);
	v19 =	vmax.f32 v19, v9;
	(xrf1) =	vsort.ascd.msk.f32 $0xffff, v15, v15  }
0x195: {  	v16 =	vmax.f32 v18, $0.0e+00;
	vm2 =	vlt.f32 v13, $3.000000120e-01;
	v15 =	vmax.f32 v17, $0.0e+00;
	v13 =	vld [tilespmem:s21+$0x9070];
	v9, _, _ =	vpop (xrf1);
	(xrf1) =	vsort.ascd.msk.f32 $0xffff, v19, v19  }
0x196: {  	v16 =	vnsel vm2, $0x0, v16  }
0x197: {  	v17 =	vld [tilespmem:s21+$0xD810];
	v10 =	vmax.f32 v10, $0.0e+00;
	vm2 =	vlt.f32 v7, $3.000000120e-01;
	v7 =	vnsel vm1, $0x0, v15  }
0x198: {  	(xrf1) =	vsort.dscd.msk.f32 $0xffff, v14, v14;
	v14, _, _ =	vpop (xrf1);
	v10 =	vnsel vm2, $0x0, v10;
	vm1 =	vlt.f32 v8, $3.000000120e-01  }
0x199: {  	(xrf1) =	vsort.dscd.msk.f32 $0xffff, v16, v16;
	v15, _, _ =	vpop (xrf1);
	vm2 =	vlt.f32 v5, $3.000000120e-01;
	v5 =	vnsel vm1, $0x0, v11;
	v8 =	vmax.f32 v12, $0.0e+00  }
0x19a: {  	(xrf1) =	vsort.ascd.msk.f32 $0xffff, v7, v7;
	vm1 =	vlt.f32 v6, $3.000000120e-01;
	v7, _, _ =	vpop (xrf1);
	v6 =	vnsel vm2, $0x0, v8  }
0x19b: {  	(xrf1) =	vsort.ascd.msk.f32 $0xffff, v10, v10;
	v10, _, _ =	vpop (xrf1);
	v8 =	vmax.f32 v13, $0.0e+00  }
0x19c: {  	v4 =	vmax.f32 v4, $0.0e+00;
	(xrf1) =	vsort.ascd.msk.f32 $0xffff, v5, v5;
	v5, _, _ =	vpop (xrf1);
	vm2 =	vlt.f32 v17, $3.000000120e-01;
	v8 =	vnsel vm1, $0x0, v8  }
0x19d: {  	(xrf1) =	vsort.ascd.msk.f32 $0xffff, v6, v6;
	v4 =	vnsel vm2, $0x0, v4;
	v6, _, _ =	vpop (xrf1)  }
0x19e: {  	v6 =	vmax.f32 v15, v6  }
0x19f: {  	v7 =	vmax.f32 v7, v9;
	(xrf1) =	vsort.dscd.msk.f32 $0xffff, v8, v8;
	v8, _, _ =	vpop (xrf1)  }
0x1a0: {  	(xrf1) =	vsort.dscd.msk.f32 $0xffff, v4, v4;
	v4, _, _ =	vpop (xrf1)  }
0x1a1: {  	(xrf1) =	vsort.dscd.msk.f32 $0xffff, v6, v6;
	v6, _, _ =	vpop (xrf1)  }
0x1a2: {  	v5 =	vmax.f32 v10, v5;
	(xrf1) =	vsort.dscd.msk.f32 $0xffff, v7, v7;
	v7, _, _ =	vpop (xrf1)  }
0x1a3: {  	(xrf1) =	vsort.dscd.msk.f32 $0xffff, v5, v5;
	v5 =	vmax.f32 v7, v6  }
0x1a4: {  	v6, _, _ =	vpop (xrf1)  }
0x1a5: {  	v6 =	vmax.f32 v6, v8;
	v7, _, _ =	vpop (xrf1);
	(xrf1) =	vsort.ascd.msk.f32 $0xffff, v5, v5  }
0x1a6: {  	v3 =	vmax.f32 v14, v3;
	(xrf1) =	vsort.ascd.msk.f32 $0xffff, v6, v6;
	v5, _, _ =	vpop (xrf1)  }
0x1a7: {  	(xrf1) =	vsort.dscd.msk.f32 $0xffff, v3, v3;
	v3 =	vmax.f32 v5, v7;
	v5, _, _ =	vpop (xrf1)  }
0x1a8: {  	v4 =	vmax.f32 v5, v4  }
0x1a9: {  	v6, _, _ =	vpop (xrf1)  }
0x1aa: {  	(xrf1) =	vsort.ascd.msk.f32 $0xffff, v3, v3;
	v3, _, _ =	vpop (xrf1)  }
0x1ab: {  	(xrf1) =	vsort.ascd.msk.f32 $0xffff, v4, v4;
	v4, _, _ =	vpop (xrf1)  }
0x1ac: {  	v5, _, _ =	vpop (xrf1)  }
0x1ad: {  	v7, _, _ =	vpop (xrf1)  }
0x1ae: {  	v8, _, _ =	vpop (xrf1)  }
0x1af: {  	v9, _, _ =	vpop (xrf1)  }
0x1b0: {  	v10, _, _ =	vpop (xrf1)  }
0x1b1: {  	v5 =	vmax.f32 v5, v10  }
0x1b2: {  	v3 =	vmax.f32 v7, v3;
	v11, _, _ =	vpop (xrf1)  }
0x1b3: {  	v10, _, _ =	vpop (xrf1)  }
0x1b4: {  	(xrf1) =	vsort.dscd.msk.f32 $0xffff, v5, v5;
	v5, _, _ =	vpop (xrf1)  }
0x1b5: {  	v7 =	vmax.f32 v8, v9;
	(xrf1) =	vsort.dscd.msk.f32 $0xffff, v3, v3;
	v3, _, _ =	vpop (xrf1)  }
0x1b6: {  	(xrf1) =	vsort.dscd.msk.f32 $0xffff, v7, v7;
	v3 =	vmax.f32 v3, v5  }
0x1b7: {  	v5, _, _ =	vpop (xrf1);
	(xrf1) =	vsort.ascd.msk.f32 $0xffff, v3, v3  }
0x1b8: {  	v5 =	vmax.f32 v5, v11;
	v7, _, _ =	vpop (xrf1)  }
0x1b9: {  	v3 =	vmax.f32 v4, v6;
	(xrf1) =	vsort.ascd.msk.f32 $0xffff, v5, v5;
	v4, _, _ =	vpop (xrf1)  }
0x1ba: {  	(xrf1) =	vsort.dscd.msk.f32 $0xffff, v3, v3;
	v3 =	vmax.f32 v4, v7;
	v4, _, _ =	vpop (xrf1)  }
0x1bb: {  	v4 =	vmax.f32 v4, v10;
	(xrf1) =	vsort.ascd.msk.f32 $0xffff, v3, v3  }
0x1bc: {  	(xrf1) =	vsort.ascd.msk.f32 $0xffff, v4, v4;
	_ =	sdelay $0x5  }
0x1bd: {  	v3, _, _ =	vpop (xrf1)  }
0x1be: {  	v4, _, _ =	vpop (xrf1)  }
0x1bf: {  	v5, _, _ =	vpop (xrf1)  }
0x1c0: {  	v6, _, _ =	vpop (xrf1)  }
0x1c1: {  	v5 =	vmax.f32 v6, v5  }
0x1c2: {  	v7, _, _ =	vpop (xrf1)  }
0x1c3: {  	v6, _, _ =	vpop (xrf1)  }
0x1c4: {  	v3 =	vmax.f32 v7, v3;
	(xrf1) =	vsort.ascd.msk.f32 $0xffff, v5, v5;
	v5, _, _ =	vpop (xrf1)  }
0x1c5: {  	(xrf1) =	vsort.ascd.msk.f32 $0xffff, v3, v3;
	v3 =	vmax.f32 v5, v6;
	v5, _, _ =	vpop (xrf1)  }
0x1c6: {  	s31 =	simm.s32 $0x0;
	v4 =	vmax.f32 v5, v4;
	(xrf1) =	vsort.ascd.msk.f32 $0xffff, v3, v3  }
0x1c7: {  	v14 =	vld [tilespmem:s31+$0xD880];
	(xrf1) =	vsort.ascd.msk.f32 $0xffff, v4, v4  }
0x1c8: {  	v18 =	vld [tilespmem:s31+$0x9090]  }
0x1c9: {  	v19 =	vld [tilespmem:s31+$0x90E0]  }
0x1ca: {  	v21 =	vld [tilespmem:s31+$0x90F0]  }
0x1cb: {  	v12 =	vld [tilespmem:s31+$0xD8A0]  }
0x1cc: {  	v13 =	vld [tilespmem:s31+$0x90A0]  }
0x1cd: {  	v15 =	vld [tilespmem:s31+$0x9080]  }
0x1ce: {  	v8 =	vld [tilespmem:s31+$0xD8B0]  }
0x1cf: {  	v11 =	vld [tilespmem:s31+$0x90B0]  }
0x1d0: {  	v10 =	vld [tilespmem:s31+$0xD8D0]  }
0x1d1: {  	v7 =	vld [tilespmem:s31+$0x90C0]  }
0x1d2: {  	v5 =	vld [tilespmem:s31+$0x90D0];
	v16, _, _ =	vpop (xrf1)  }
0x1d3: {  	v6 =	vld [tilespmem:s31+$0xD8E0];
	v3, _, _ =	vpop (xrf1)  }
0x1d4: {  	v17 =	vld [tilespmem:s31+$0xD8C0];
	vm2 =	vlt.f32 v12, $3.000000120e-01;
	v12 =	vmax.f32 v13, $0.0e+00;
	v16 =	vperm.xlane v16, v0;
	v4, _, _ =	vpop (xrf1)  }
0x1d5: {  	v12 =	vnsel vm2, $0x0, v12;
	v9 =	vld [tilespmem:s31+$0xD8F0];
	vm1 =	vlt.f32 v8, $3.000000120e-01;
	v11 =	vmax.f32 v11, $0.0e+00;
	v20, _, _ =	vpop (xrf1)  }
0x1d6: {  	s23 =	simm.s32 $0x100;
	v13 =	vmax.f32 v15, $0.0e+00;
	v8 =	vld [tilespmem:s31+$0xD890];
	v11 =	vnsel vm1, $0x0, v11;
	v16 =	vmax.f32 v20, v16  }
0x1d7: {  	v15 =	vld [tilespmem:s23+$0xD880];
	vm1 =	vlt.f32 v10, $3.000000120e-01;
	v7 =	vmax.f32 v7, $0.0e+00;
	v5 =	vmax.f32 v5, $0.0e+00;
	(xrf1) =	vsort.ascd.msk.f32 $0xffff, v16, v16  }
0x1d8: {  	v10 =	vld [tilespmem:s23+$0x90D0];
	vm2 =	vlt.f32 v6, $3.000000120e-01;
	v5 =	vnsel vm1, $0x0, v5;
	vm1 =	vlt.f32 v14, $3.000000120e-01;
	(xrf1) =	vsort.dscd.msk.f32 $0xffff, v11, v11  }
0x1d9: {  	v14 =	vmax.f32 v18, $0.0e+00;
	v18 =	vld [tilespmem:s23+$0x9090];
	v13 =	vnsel vm1, $0x0, v13;
	vm1 =	vlt.f32 v17, $3.000000120e-01;
	(xrf1) =	vsort.dscd.msk.f32 $0xffff, v5, v5  }
0x1da: {  	v17 =	vld [tilespmem:s23+$0xD8C0];
	v6 =	vnsel vm1, $0x0, v7;
	v7 =	vmax.f32 v19, $0.0e+00;
	vm1 =	vlt.f32 v9, $3.000000120e-01;
	(xrf1) =	vsort.ascd.msk.f32 $0xffff, v12, v12  }
0x1db: {  	v9 =	vmax.f32 v21, $0.0e+00;
	v19 =	vld [tilespmem:s23+$0x90E0];
	v7 =	vnsel vm2, $0x0, v7;
	vm2 =	vlt.f32 v8, $3.000000120e-01;
	(xrf1) =	vsort.ascd.msk.f32 $0xffff, v13, v13  }
0x1dc: {  	v8 =	vnsel vm1, $0x0, v9;
	v9 =	vnsel vm2, $0x0, v14;
	v14 =	vld [tilespmem:s23+$0xD8A0];
	(xrf1) =	vsort.ascd.msk.f32 $0xffff, v6, v6  }
0x1dd: {  	v16 =	vld [tilespmem:s23+$0x9080];
	(xrf1) =	vsort.ascd.msk.f32 $0xffff, v7, v7  }
0x1de: {  	v12 =	vld [tilespmem:s23+$0xD8B0];
	(xrf1) =	vsort.dscd.msk.f32 $0xffff, v8, v8  }
0x1df: {  	v7 =	vld [tilespmem:s23+$0x90B0];
	(xrf1) =	vsort.dscd.msk.f32 $0xffff, v9, v9  }
0x1e0: {  	v6 =	vld [tilespmem:s23+$0xD8D0]  }
0x1e1: {  	v9 =	vld [tilespmem:s23+$0x90A0]  }
0x1e2: {  	v11 =	vld [tilespmem:s23+$0xD8E0]  }
0x1e3: {  	v5 =	vld [tilespmem:s23+$0x90C0]  }
0x1e4: {  	v13 =	vld [tilespmem:s23+$0xD8F0];
	vm1 =	vlt.f32 v12, $3.000000120e-01;
	v7 =	vmax.f32 v7, $0.0e+00  }
0x1e5: {  	v12 =	vld [tilespmem:s23+$0x90F0];
	v7 =	vnsel vm1, $0x0, v7;
	vm1 =	vlt.f32 v6, $3.000000120e-01;
	v6 =	vmax.f32 v10, $0.0e+00;
	v8, _, _ =	vpop (xrf1)  }
0x1e6: {  	s22 =	simm.s32 $0x200;
	vm2 =	vlt.f32 v14, $3.000000120e-01;
	v10 =	vld [tilespmem:s23+$0xD890];
	v9 =	vmax.f32 v9, $0.0e+00;
	v6 =	vnsel vm1, $0x0, v6;
	(xrf1) =	vsort.dscd.msk.f32 $0xffff, v7, v7;
	v20, _, _ =	vpop (xrf1)  }
0x1e7: {  	v16 =	vmax.f32 v16, $0.0e+00;
	v7 =	vld [tilespmem:s22+$0x90D0];
	vm1 =	vlt.f32 v15, $3.000000120e-01;
	v9 =	vnsel vm2, $0x0, v9;
	(xrf1) =	vsort.dscd.msk.f32 $0xffff, v6, v6;
	v14, _, _ =	vpop (xrf1)  }
0x1e8: {  	v5 =	vmax.f32 v5, $0.0e+00;
	v15 =	vld [tilespmem:s22+$0xD8E0];
	v16 =	vnsel vm1, $0x0, v16;
	vm1 =	vlt.f32 v17, $3.000000120e-01;
	(xrf1) =	vsort.ascd.msk.f32 $0xffff, v9, v9;
	v62, _, _ =	vpop (xrf1)  }
0x1e9: {  	vm2 =	vlt.f32 v11, $3.000000120e-01;
	v17 =	vmax.f32 v19, $0.0e+00;
	v9 =	vld [tilespmem:s22+$0x90C0];
	v5 =	vnsel vm1, $0x0, v5;
	(xrf1) =	vsort.ascd.msk.f32 $0xffff, v16, v16;
	v6, _, _ =	vpop (xrf1)  }
0x1ea: {  	v12 =	vmax.f32 v12, $0.0e+00;
	vm1 =	vlt.f32 v13, $3.000000120e-01;
	v17 =	vnsel vm2, $0x0, v17;
	v16 =	vld [tilespmem:s22+$0xD8B0];
	(xrf1) =	vsort.ascd.msk.f32 $0xffff, v5, v5;
	v11, _, _ =	vpop (xrf1)  }
0x1eb: {  	v18 =	vmax.f32 v18, $0.0e+00;
	v5 =	vld [tilespmem:s22+$0xD8F0];
	vm2 =	vlt.f32 v10, $3.000000120e-01;
	v10 =	vnsel vm1, $0x0, v12;
	(xrf1) =	vsort.ascd.msk.f32 $0xffff, v17, v17;
	v13, _, _ =	vpop (xrf1)  }
0x1ec: {  	v12 =	vld [tilespmem:s22+$0xD8D0];
	v18 =	vnsel vm2, $0x0, v18;
	(xrf1) =	vsort.dscd.msk.f32 $0xffff, v10, v10;
	v19, _, _ =	vpop (xrf1)  }
0x1ed: {  	v10 =	vld [tilespmem:s22+$0x90B0];
	(xrf1) =	vsort.dscd.msk.f32 $0xffff, v18, v18;
	v17, _, _ =	vpop (xrf1)  }
0x1ee: {  	v6 =	vmax.f32 v6, v17;
	v17 =	vld [tilespmem:s22+$0xD8A0]  }
0x1ef: {  	v11 =	vmax.f32 v11, v14;
	(xrf1) =	vsort.dscd.msk.f32 $0xffff, v6, v6;
	v6 =	vld [tilespmem:s22+$0x90A0]  }
0x1f0: {  	v13 =	vmax.f32 v13, v19;
	(xrf1) =	vsort.dscd.msk.f32 $0xffff, v11, v11;
	v11 =	vld [tilespmem:s22+$0xD880]  }
0x1f1: {  	v18 =	vmax.f32 v62, v20;
	(xrf1) =	vsort.dscd.msk.f32 $0xffff, v13, v13;
	v13 =	vld [tilespmem:s22+$0x9080]  }
0x1f2: {  	vm1 =	vlt.f32 v16, $3.000000120e-01;
	v16 =	vld [tilespmem:s22+$0x90E0];
	v10 =	vmax.f32 v10, $0.0e+00  }
0x1f3: {  	v7 =	vmax.f32 v7, $0.0e+00;
	v14 =	vld [tilespmem:s22+$0xD8C0];
	v10 =	vnsel vm1, $0x0, v10;
	(xrf1) =	vsort.dscd.msk.f32 $0xffff, v18, v18  }
0x1f4: {  	vm1 =	vlt.f32 v12, $3.000000120e-01;
	v12 =	vld [tilespmem:s22+$0x90F0];
	v18, _, _ =	vpop (xrf1);
	vm2 =	vlt.f32 v17, $3.000000120e-01;
	v6 =	vmax.f32 v6, $0.0e+00  }
0x1f5: {  	v20 =	vld [tilespmem:s22+$0xD890];
	v7 =	vnsel vm1, $0x0, v7;
	v17, _, _ =	vpop (xrf1);
	(xrf1) =	vsort.dscd.msk.f32 $0xffff, v10, v10;
	vm1 =	vlt.f32 v11, $3.000000120e-01;
	v11 =	vnsel vm2, $0x0, v6  }
0x1f6: {  	s21 =	simm.s32 $0x300;
	v19 =	vld [tilespmem:s22+$0x9090];
	v63, _, _ =	vpop (xrf1);
	(xrf1) =	vsort.dscd.msk.f32 $0xffff, v7, v7;
	v7 =	vmax.f32 v9, $0.0e+00;
	v10 =	vmax.f32 v13, $0.0e+00  }
0x1f7: {  	v22 =	vld [tilespmem:s21+$0x90D0];
	v9, _, _ =	vpop (xrf1);
	vm2 =	vlt.f32 v15, $3.000000120e-01;
	(xrf1) =	vsort.ascd.msk.f32 $0xffff, v11, v11;
	v13 =	vmax.f32 v16, $0.0e+00;
	v10 =	vnsel vm1, $0x0, v10  }
0x1f8: {  	v6 =	vld [tilespmem:s21+$0xD8E0];
	vm1 =	vlt.f32 v14, $3.000000120e-01;
	v11, _, _ =	vpop (xrf1);
	(xrf1) =	vsort.ascd.msk.f32 $0xffff, v10, v10;
	v10 =	vnsel vm2, $0x0, v13  }
0x1f9: {  	v15 =	vld [tilespmem:s21+$0xD8B0];
	v12 =	vmax.f32 v12, $0.0e+00;
	v7 =	vnsel vm1, $0x0, v7;
	vm1 =	vlt.f32 v5, $3.000000120e-01;
	v5, _, _ =	vpop (xrf1)  }
0x1fa: {  	v14 =	vld [tilespmem:s21+$0x90C0];
	(xrf1) =	vsort.ascd.msk.f32 $0xffff, v7, v7;
	v12 =	vnsel vm1, $0x0, v12;
	v16, _, _ =	vpop (xrf1)  }
0x1fb: {  	v13 =	vmax.f32 v19, $0.0e+00;
	vm2 =	vlt.f32 v20, $3.000000120e-01;
	v19 =	vld [tilespmem:s21+$0xD8D0];
	(xrf1) =	vsort.ascd.msk.f32 $0xffff, v10, v10;
	v10, _, _ =	vpop (xrf1)  }
0x1fc: {  	v20 =	vld [tilespmem:s21+$0x90B0];
	v13 =	vnsel vm2, $0x0, v13;
	(xrf1) =	vsort.dscd.msk.f32 $0xffff, v12, v12;
	v9 =	vmax.f32 v9, v10  }
0x1fd: {  	v7 =	vld [tilespmem:s21+$0xD8F0];
	(xrf1) =	vsort.dscd.msk.f32 $0xffff, v13, v13;
	v12, _, _ =	vpop (xrf1)  }
0x1fe: {  	v24 =	vimm.f32 $0.0e+00;
	vm2 =	vlt.f32 v15, $3.000000120e-01;
	v15 =	vld [tilespmem:s21+$0x90E0];
	v10 =	vmax.f32 v11, v17;
	(xrf1) =	vsort.dscd.msk.f32 $0xffff, v9, v9;
	v23, _, _ =	vpop (xrf1)  }
0x1ff: {  	v5 =	vmax.f32 v5, v16;
	v17 =	vld [tilespmem:s21+$0xD8A0];
	(xrf1) =	vsort.dscd.msk.f32 $0xffff, v10, v10;
	v12 =	vmax.f32 v24, v12;
	v9, _, _ =	vpop (xrf1)  }
0x200: {  	v16 =	vld [tilespmem:s21+$0x90A0];
	(xrf1) =	vsort.dscd.msk.f32 $0xffff, v5, v5;
	v5 =	vperm.xlane v4, v0;
	v9 =	vmax.f32 v24, v9  }
0x201: {  	v13 =	vld [tilespmem:s21+$0x9080];
	v4 =	vperm.xlane v8, v0;
	v8 =	vmax.f32 v63, v18;
	v18, _, _ =	vpop (xrf1);
	(xrf1) =	vsort.ascd.msk.f32 $0xffff, v9, v9  }
0x202: {  	v10 =	vld [tilespmem:s21+$0xD880];
	(xrf1) =	vsort.ascd.msk.f32 $0xffff, v12, v12;
	v12 =	vmax.f32 v24, v18  }
0x203: {  	v11 =	vld [tilespmem:s21+$0xD8C0];
	v14 =	vmax.f32 v14, $0.0e+00;
	v20 =	vmax.f32 v20, $0.0e+00;
	(xrf1) =	vsort.dscd.msk.f32 $0xffff, v8, v8  }
0x204: {  	v9 =	vld [tilespmem:s21+$0x9090];
	vm1 =	vlt.f32 v17, $3.000000120e-01;
	v17 =	vnsel vm2, $0x0, v20;
	v20 =	vmax.f32 v24, v23;
	v8, _, _ =	vpop (xrf1);
	(xrf1) =	vsort.ascd.msk.f32 $0xffff, v12, v12  }
0x205: {  	s22 =	simm.s32 $0x1000;
	vm2 =	vlt.f32 v19, $3.000000120e-01;
	v19 =	vmax.f32 v22, $0.0e+00;
	v18 =	vmax.f32 v16, $0.0e+00;
	v16 =	vld [tilespmem:s21+$0x90F0];
	v12, _, _ =	vpop (xrf1);
	(xrf1) =	vsort.ascd.msk.f32 $0xffff, v20, v20  }
.LBB2_9:
0x206: {  	p0 =	sne.s32 s22, $0x11C00;
	v13 =	vmax.f32 v13, $0.0e+00;
	v20 =	vld [tilespmem:s21+$0xD890];
	s21 =	sshra.s32 s22, $0x2;
	s22 =	sadd.s32 $0x400, s22;
	v19 =	vnsel vm2, $0x0, v19;
	(xrf1) =	vsort.dscd.msk.f32 $0xffff, v17, v17;
	v17, _, _ =	vpop (xrf1)  }
0x207: {  	vm2 =	vlt.f32 v10, $3.000000120e-01;
	v22 =	vnsel vm1, $0x0, v18;
	vm1 =	vlt.f32 v7, $3.000000120e-01;
	v21 =	vld [tilespmem:s21+$0x90D0];
	(xrf1) =	vsort.dscd.msk.f32 $0xffff, v19, v19;
	v18, _, _ =	vpop (xrf1)  }
0x208: {  	vm3 =	vlt.f32 v6, $3.000000120e-01;
	v7 =	vnsel vm2, $0x0, v13;
	vm2 =	vlt.f32 v11, $3.000000120e-01;
	v6 =	vld [tilespmem:s21+$0xD8E0];
	(xrf1) =	vsort.ascd.msk.f32 $0xffff, v22, v22;
	v10, _, _ =	vpop (xrf1)  }
0x209: {  	v22 =	vnsel vm2, $0x0, v14;
	v19 =	vld [tilespmem:s21+$0x90C0];
	v24 =	vmax.f32 v15, $0.0e+00;
	(xrf1) =	vsort.ascd.msk.f32 $0xffff, v7, v7;
	v10 =	vmax.f32 v10, v12;
	v12, _, _ =	vpop (xrf1)  }
0x20a: {  	v9 =	vmax.f32 v9, $0.0e+00;
	v14 =	vld [tilespmem:s21+$0xD8B0];
	v23 =	vnsel vm3, $0x0, v24;
	v24 =	vmax.f32 v16, $0.0e+00;
	(xrf1) =	vsort.ascd.msk.f32 $0xffff, v22, v22;
	v11, _, _ =	vpop (xrf1)  }
0x20b: {  	v8 =	vmax.f32 v17, v8;
	v7 =	vld [tilespmem:s21+$0xD8F0];
	vm2 =	vlt.f32 v20, $3.000000120e-01;
	v20 =	vnsel vm1, $0x0, v24;
	(xrf1) =	vsort.ascd.msk.f32 $0xffff, v23, v23;
	v13, _, _ =	vpop (xrf1)  }
0x20c: {  	v16 =	vld [tilespmem:s21+$0xD8D0];
	v9 =	vnsel vm2, $0x0, v9;
	(xrf1) =	vsort.dscd.msk.f32 $0xffff, v20, v20;
	v13 =	vmax.f32 v18, v13;
	v15, _, _ =	vpop (xrf1)  }
0x20d: {  	v17 =	vld [tilespmem:s21+$0x90B0];
	(xrf1) =	vsort.dscd.msk.f32 $0xffff, v9, v9;
	v9 =	vmax.f32 v12, v11;
	v12, _, _ =	vpop (xrf1)  }
0x20e: {  	v18 =	vld [tilespmem:s21+$0xD8A0];
	(xrf1) =	vsort.dscd.msk.f32 $0xffff, v13, v13;
	v11, _, _ =	vpop (xrf1)  }
0x20f: {  	v20 =	vld [tilespmem:s21+$0x90A0];
	(xrf1) =	vsort.dscd.msk.f32 $0xffff, v10, v10;
	v13, _, _ =	vpop (xrf1)  }
0x210: {  	v10 =	vld [tilespmem:s21+$0xD880];
	(xrf1) =	vsort.dscd.msk.f32 $0xffff, v9, v9;
	v9 =	vmax.f32 v13, v11;
	v11, _, _ =	vpop (xrf1)  }
.Ltmp3:
0x211: {  	v13 =	vld [tilespmem:s21+$0x9080];
	v23 =	vmax.f32 v11, v15;
	v22, _, _ =	vpop (xrf1);
	(xrf1) =	vsort.ascd.msk.f32 $0xffff, v9, v9;
	(pc) =	sbr.rel @p0 .LBB2_9-.Ltmp3, $4  }
0x212: {  	v17 =	vmax.f32 v17, $0.0e+00;
	v11 =	vld [tilespmem:s21+$0xD8C0];
	(xrf1) =	vsort.ascd.msk.f32 $0xffff, v23, v23;
	v15, _, _ =	vpop (xrf1)  }
0x213: {  	vm2 =	vlt.f32 v14, $3.000000120e-01;
	v9 =	vld [tilespmem:s21+$0x9090];
	vm1 =	vlt.f32 v18, $3.000000120e-01;
	(xrf1) =	vsort.dscd.msk.f32 $0xffff, v8, v8;
	v18 =	vmax.f32 v15, v22;
	v22, _, _ =	vpop (xrf1)  }
0x214: {  	v14 =	vmax.f32 v19, $0.0e+00;
	v17 =	vnsel vm2, $0x0, v17;
	v15 =	vld [tilespmem:s21+$0x90E0];
	v8, _, _ =	vpop (xrf1);
	v22 =	vmax.f32 v22, v12;
	(xrf1) =	vsort.ascd.msk.f32 $0xffff, v18, v18  }
0x215: {  	v19 =	vmax.f32 v21, $0.0e+00;
	vm2 =	vlt.f32 v16, $3.000000120e-01;
	v18 =	vmax.f32 v20, $0.0e+00;
	v16 =	vld [tilespmem:s21+$0x90F0];
	v12, _, _ =	vpop (xrf1);
	(xrf1) =	vsort.ascd.msk.f32 $0xffff, v22, v22  }
0x216: {  	v20 =	vld [tilespmem:s21+$0xD890];
	v19 =	vnsel vm2, $0x0, v19;
	(xrf1) =	vsort.dscd.msk.f32 $0xffff, v17, v17;
	v57, _, _ =	vpop (xrf1)  }
0x217: {  	v13 =	vmax.f32 v13, $0.0e+00;
	vm11 =	vlt.f32 v10, $3.000000120e-01;
	v58 =	vnsel vm1, $0x0, v18;
	(xrf1) =	vsort.dscd.msk.f32 $0xffff, v19, v19;
	v59, _, _ =	vpop (xrf1)  }
0x218: {  	v13 =	vnsel vm11, $0x0, v13;
	vm12 =	vlt.f32 v11, $3.000000120e-01;
	(xrf1) =	vsort.ascd.msk.f32 $0xffff, v58, v58;
	v60, _, _ =	vpop (xrf1)  }
0x219: {  	vm13 =	vlt.f32 v6, $3.000000120e-01;
	v61 =	vnsel vm12, $0x0, v14;
	v62 =	vmax.f32 v15, $0.0e+00;
	(xrf1) =	vsort.ascd.msk.f32 $0xffff, v13, v13;
	v63, _, _ =	vpop (xrf1)  }
0x21a: {  	vm14 =	vlt.f32 v7, $3.000000120e-01;
	v15 =	vnsel vm13, $0x0, v62;
	v16 =	vmax.f32 v16, $0.0e+00;
	(xrf1) =	vsort.ascd.msk.f32 $0xffff, v61, v61;
	v19, _, _ =	vpop (xrf1)  }
0x21b: {  	v9 =	vmax.f32 v9, $0.0e+00;
	vm15 =	vlt.f32 v20, $3.000000120e-01;
	v11 =	vnsel vm14, $0x0, v16;
	(xrf1) =	vsort.ascd.msk.f32 $0xffff, v15, v15;
	v20, _, _ =	vpop (xrf1)  }
0x21c: {  	v9 =	vnsel vm15, $0x0, v9;
	(xrf1) =	vsort.dscd.msk.f32 $0xffff, v11, v11;
	v21, _, _ =	vpop (xrf1)  }
0x21d: {  	v7 =	vmax.f32 v59, v20;
	(xrf1) =	vsort.dscd.msk.f32 $0xffff, v9, v9;
	v22, _, _ =	vpop (xrf1)  }
0x21e: {  	v10 =	vmax.f32 v60, v12;
	(xrf1) =	vsort.dscd.msk.f32 $0xffff, v7, v7;
	v23, _, _ =	vpop (xrf1)  }
0x21f: {  	v6 =	vmax.f32 v63, v19;
	(xrf1) =	vsort.dscd.msk.f32 $0xffff, v10, v10;
	v24, _, _ =	vpop (xrf1)  }
0x220: {  	(xrf1) =	vsort.dscd.msk.f32 $0xffff, v6, v6;
	v25 =	vmax.f32 v24, v23;
	v26, _, _ =	vpop (xrf1)  }
0x221: {  	v7 =	vmax.f32 v26, v21;
	v27, _, _ =	vpop (xrf1);
	(xrf1) =	vsort.ascd.msk.f32 $0xffff, v25, v25  }
0x222: {  	v28 =	vmax.f32 v57, v8;
	(xrf1) =	vsort.ascd.msk.f32 $0xffff, v7, v7;
	v29, _, _ =	vpop (xrf1)  }
0x223: {  	(xrf1) =	vsort.dscd.msk.f32 $0xffff, v28, v28;
	v30 =	vmax.f32 v29, v27;
	v31, _, _ =	vpop (xrf1)  }
0x224: {  	v32, _, _ =	vpop (xrf1);
	v7 =	vmax.f32 v31, v22;
	(xrf1) =	vsort.ascd.msk.f32 $0xffff, v30, v30  }
0x225: {  	v33, _, _ =	vpop (xrf1);
	(xrf1) =	vsort.ascd.msk.f32 $0xffff, v7, v7  }
0x226: {  	v34, _, _ =	vpop (xrf1)  }
0x227: {  	v35, _, _ =	vpop (xrf1)  }
0x228: {  	v36, _, _ =	vpop (xrf1)  }
0x229: {  	v37, _, _ =	vpop (xrf1)  }
0x22a: {  	v38, _, _ =	vpop (xrf1)  }
0x22b: {  	v39, _, _ =	vpop (xrf1)  }
0x22c: {  	v40, _, _ =	vpop (xrf1)  }
0x22d: {  	v9 =	vmax.f32 v35, v39;
	v41, _, _ =	vpop (xrf1)  }
0x22e: {  	v6 =	vmax.f32 v36, v33;
	(xrf1) =	vsort.dscd.msk.f32 $0xffff, v9, v9;
	v42, _, _ =	vpop (xrf1)  }
0x22f: {  	v43 =	vmax.f32 v37, v38;
	(xrf1) =	vsort.dscd.msk.f32 $0xffff, v6, v6;
	v44, _, _ =	vpop (xrf1)  }
0x230: {  	(xrf1) =	vsort.dscd.msk.f32 $0xffff, v43, v43;
	v6 =	vmax.f32 v44, v42;
	v45, _, _ =	vpop (xrf1)  }
0x231: {  	v9 =	vmax.f32 v45, v40;
	v46, _, _ =	vpop (xrf1);
	(xrf1) =	vsort.ascd.msk.f32 $0xffff, v6, v6  }
0x232: {  	v47 =	vmax.f32 v34, v32;
	(xrf1) =	vsort.ascd.msk.f32 $0xffff, v9, v9;
	v48, _, _ =	vpop (xrf1)  }
0x233: {  	(xrf1) =	vsort.dscd.msk.f32 $0xffff, v47, v47;
	v49 =	vmax.f32 v48, v46;
	v50, _, _ =	vpop (xrf1)  }
0x234: {  	v7 =	vmax.f32 v50, v41;
	(xrf1) =	vsort.ascd.msk.f32 $0xffff, v49, v49  }
0x235: {  	(xrf1) =	vsort.ascd.msk.f32 $0xffff, v7, v7;
	_ =	sdelay $0x6  }
0x236: {  	v51, _, _ =	vpop (xrf1)  }
0x237: {  	v52, _, _ =	vpop (xrf1)  }
0x238: {  	v53, _, _ =	vpop (xrf1)  }
0x239: {  	v54, _, _ =	vpop (xrf1)  }
0x23a: {  	v55, _, _ =	vpop (xrf1)  }
0x23b: {  	v8 =	vmax.f32 v54, v53;
	v56, _, _ =	vpop (xrf1)  }
0x23c: {  	v6 =	vmax.f32 v55, v51;
	(xrf1) =	vsort.ascd.msk.f32 $0xffff, v8, v8;
	v57, _, _ =	vpop (xrf1)  }
0x23d: {  	(xrf1) =	vsort.ascd.msk.f32 $0xffff, v6, v6;
	v58 =	vmax.f32 v57, v56;
	v59, _, _ =	vpop (xrf1)  }
0x23e: {  	v7 =	vmax.f32 v59, v52;
	(xrf1) =	vsort.ascd.msk.f32 $0xffff, v58, v58  }
0x23f: {  	v3 =	vmax.f32 v3, v5;
	(xrf1) =	vsort.ascd.msk.f32 $0xffff, v7, v7  }
0x240: {  	(xrf1) =	vsort.ascd.msk.f32 $0xffff, v3, v3;
	_ =	sdelay $0x9  }
0x241: {  	v3, _, _ =	vpop (xrf1)  }
0x242: {  	v60, _, _ =	vpop (xrf1)  }
0x243: {  	v6, _, _ =	vpop (xrf1)  }
0x244: {  	v7, _, _ =	vpop (xrf1)  }
0x245: {  	v6 =	vperm.xlane v6, v0;
	v61, _, _ =	vpop (xrf1)  }
0x246: {  	v3 =	vperm.xlane v3, v0;
	v4 =	vmax.f32 v61, v4  }
0x247: {  	v62 =	vmax.f32 v60, v6;
	(xrf1) =	vsort.ascd.msk.f32 $0xffff, v4, v4  }
0x248: {  	v3 =	vmax.f32 v7, v3;
	(xrf1) =	vsort.ascd.msk.f32 $0xffff, v62, v62  }
0x249: {  	(xrf1) =	vsort.ascd.msk.f32 $0xffff, v3, v3;
	_ =	sdelay $0xb  }
0x24a: {  	v3, _, _ =	vpop (xrf1)  }
0x24b: {  	v4, _, _ =	vpop (xrf1)  }
0x24c: {  	v63, _, _ =	vpop (xrf1)  }
0x24d: {  	v5 =	vperm.xlane v63, v0;
	_ =	sdelay $0x1  }
0x24e: {  	v4 =	vmax.f32 v4, v5  }
0x24f: {  	(xrf1) =	vsort.ascd.msk.f32 $0xffff, v4, v4;
	_ =	sdelay $0x9  }
0x250: {  	s20 =	sadd.s32 $0x1, s20  }
0x251: {  	p0 =	sne.s32 s20, $0x20;
	v3 =	vsel vm0, $0x0, v3  }
.Ltmp4:
0x252: {  	_ = 	snop;
	(pc) =	sbr.rel @p0 .LBB2_2-.Ltmp4, $4  }
0x253: {  	_ = 	snop  }
0x254: {  	v2 =	vadd.f32 v3, v2;
	v3, _, _ =	vpop (xrf1)  }
0x255: {  	v3 =	vsel vm0, $0x0, v3  }
0x256: {  	v2 =	vadd.f32 v3, v2  }
0x257: {  	_ = 	snop  }
0x258: {  	(xrf2) =	vadd.scan.msk.f32 $0xffff, v2;
	_ =	sdelay $0x9  }
0x259: {  	v1, _, _ =	vpop (xrf2)  }
0x25a: {  	v1 =	vadd.f32 $0.0e+00, v1;
	_ =	sdelay $0x1  }
0x25b: {  	v1 =	vbroadcast v1, $0xF  }
0x25c: {  	vm0 =	vmmov $0x1;
	s19 =	sadd.s32 $0x1, s19  }
0x25d: {  	p0 =	sne.s32 s19, s9;
	v1 =	vnsel vm0, $0x0, v1  }
.Ltmp5:
0x25e: {  	[tilespmem:$0x12000] =	vst v1;
	(pc) =	sbr.rel @p0 .LBB2_1-.Ltmp5, $4  }
0x25f: {  	[hbm4b:s8+s4] =	stream.linear.scatter [tilespmem:s17], [sflag:$0x3], $0x80, $0x38;
	[tilespmem:$0x12080] =	vst v63  }
0x260: {  	_ =	swait.ge [sflag:s18], $0x80  }
0x261: {  	[sflag:s18] =	ssyncset.done $0x0  }
0x262: {  	[sflag:s18] =	ssyncadd.s32 $0xFFFFFF80  }
0x263: {  	_ =	sfence.sel $0x180000  }
0x264: {  	[bflag:$0x0] =	sbarrier.arrive $0xFFFF  }
0x265: {  	p0 =	sne.s32 s2, $0x0;
	_ =	strace $0x90000047  }
0x266: {  	s0 =	sadd.s32 @!p0 $0x100000, s0;
	[bflag:$0x2] =	sbarrier.arrive $0xFFFF  }
0x267: {  	[sflag:s0] =	ssyncadd.tile.s32 @!p0 $0x1;
	_ =	shalt  }
.Lfunc_end2:
_tile_overlayer_lowered:
.L_overlay_start_2:
0x268: {  	(tag) =	ssettag $0x2  }
0x269: {  	s0 =	rddreg [dreg:$0x0];
	s2 =	stileid.u32  }
0x26a: {  	s1 =	rddreg [dreg:$0x1];
	p0 =	sne.s32 s2, $0x0  }
0x26b: {  	s3 =	rddreg [dreg:$0x2];
	[bflag:$0x3] =	sbarrier.arrive $0xFFFF;
	s2 =	simm.s32 @!p0 $0x1C03  }
0x26c: {  	[timem:s3], [sflag:s2] =	dma.local @!p0 [hbm:s0], s1  }
0x26d: {  	s0 =	simm.s32 @!p0 $0x3  }
0x26e: {  	_ =	swait.ge @!p0 [sflag:s0], s1  }
0x26f: {  	s1 =	ssub.s32 @!p0 $0x0, s1;
	[sflag:s0] =	ssyncset.done @!p0 $0x0  }
0x270: {  	[sflag:s0] =	ssyncadd.s32 @!p0 s1  }
0x271: {  	[bflag:$0x3] =	sbarrier.arrive $0xFFFF  }
0x272: {  	_ =	shalt  }

</sc_bundles>
